<compile_context>
chip_gen: v7x
topology: tpu7x:2x2x1
jax: 0.10.2.dev20260603
libtpu: 0.0.44.dev20260713+nightly
codegen_flags: <defaults>
</compile_context>

<pallas_src>
import functools

import jax
import jax.numpy as jnp
from jax import lax
from jax.experimental import pallas as pl
from jax.experimental.pallas import tpu as pltpu
from jax.experimental.pallas import tpu_sc as plsc

N = 10000
D = 128
E = 320000
NC = 2
NS = 16
K = 64
NBUF = 4
CHUNKS = 324
C0 = 368
C1 = 2 * CHUNKS - C0
IPS = K * CHUNKS
IPC = IPS * NS
IP = IPC * NC
OUT_ROWS = 10240
ZROWS = 32
WB = OUT_ROWS // NS


def _sc_kernel(x, pair, gl, dl, out, out_sh, pair_sh, ibufs, xbufs, zbuf,
               gsems, ssems):
    c = lax.axis_index("c")
    s = lax.axis_index("s")

    z = jnp.zeros((16,), jnp.float32)

    def zero_row(i, carry):
        for k in range(D // 16):
            zbuf[i, pl.ds(k * 16, 16)] = z
        return carry

    lax.fori_loop(0, ZROWS, zero_row, 0)

    slab = s * WB

    def zero_slab(j, carry):
        pltpu.sync_copy(zbuf, out_sh.at[pl.ds(slab + j * ZROWS, ZROWS)])
        return carry

    lax.fori_loop(0, WB // ZROWS, zero_slab, 0)

    pltpu.sync_copy(pair.at[pl.ds(s * 64, 64)], pair_sh.at[pl.ds(s * 64, 64)])

    plsc.subcore_barrier()

    nch = jnp.where(c == 0, C0, C1)
    first = jnp.where(c == 0, s * (C0 * K), NS * (C0 * K) + s * (C1 * K))

    def load_idx(g, b):
        base = first + g * K
        pltpu.sync_copy(gl.at[pl.ds(base, K)], ibufs.at[b, 0])
        pltpu.sync_copy(dl.at[pl.ds(base, K)], ibufs.at[b, 1])

    def gather(b):
        srcref = x if b % 2 == 0 else pair_sh
        pltpu.async_copy(srcref.at[ibufs.at[b, 0]], xbufs.at[b], gsems.at[b])

    def wait_gather(b):
        srcref = x if b % 2 == 0 else pair_sh
        pltpu.make_async_copy(
            srcref.at[ibufs.at[b, 0]], xbufs.at[b], gsems.at[b]).wait()

    def scatter(b):
        pltpu.async_copy(
            xbufs.at[b], out_sh.at[ibufs.at[b, 1]], ssems.at[b], add=True)

    def wait_scatter(b):
        pltpu.make_async_copy(
            xbufs.at[b], out_sh.at[ibufs.at[b, 1]], ssems.at[b]).wait()

    for b in range(NBUF - 1):
        load_idx(b, b)
        gather(b)

    def step(t, carry):
        for b in range(NBUF):
            g = NBUF * t + b
            wait_gather(b)
            scatter(b)
            nb = (b + NBUF - 1) % NBUF

            @pl.when(g >= 1)
            def _():
                wait_scatter(nb)

            @pl.when(g + NBUF - 1 < nch)
            def _():
                load_idx(g + NBUF - 1, nb)
                gather(nb)
        return carry

    lax.fori_loop(0, nch // NBUF, step, 0)
    wait_scatter(NBUF - 1)

    plsc.subcore_barrier()

    pltpu.sync_copy(out_sh.at[pl.ds(slab, WB)], out.at[c].at[pl.ds(slab, WB)])


def _merge_kernel(p_ref, o_ref):
    o_ref[...] = p_ref[0] + p_ref[1]


@jax.jit
def _propagate(x, pair, gl, dl):
    mesh = plsc.VectorSubcoreMesh(core_axis_name="c", subcore_axis_name="s")
    partials = pl.kernel(
        _sc_kernel,
        out_type=jax.ShapeDtypeStruct((NC, OUT_ROWS, D), jnp.float32),
        mesh=mesh,
        scratch_types=[
            pltpu.VMEM_SHARED((OUT_ROWS, D), jnp.float32),
            pltpu.VMEM_SHARED((1024, D), jnp.float32),
            pltpu.VMEM((NBUF, 2, K), jnp.int32),
            pltpu.VMEM((NBUF, K, D), jnp.float32),
            pltpu.VMEM((ZROWS, D), jnp.float32),
            pltpu.SemaphoreType.DMA((NBUF,)),
            pltpu.SemaphoreType.DMA((NBUF,)),
        ],
    )(x, pair, gl, dl)
    blk = 1024
    merged = pl.pallas_call(
        _merge_kernel,
        grid=(OUT_ROWS // blk,),
        in_specs=[pl.BlockSpec((NC, blk, D), lambda i: (0, i, 0))],
        out_specs=pl.BlockSpec((blk, D), lambda i: (i, 0)),
        out_shape=jax.ShapeDtypeStruct((OUT_ROWS, D), jnp.float32),
    )(partials)
    return merged


def kernel(x, e_feat, e_attr, emb_table):
    src = e_feat[0].astype(jnp.int32)
    dst = e_feat[1].astype(jnp.int32)
    code = (e_attr[:, 0] * 32 + e_attr[:, 1]).astype(jnp.int32)
    loop = jnp.arange(N, dtype=jnp.int32)
    pad = IP - 2 * (E + N)
    half = pad // 2
    xg = jnp.concatenate([src, loop, jnp.zeros((half,), jnp.int32)])
    pg = jnp.concatenate(
        [code, jnp.full((N,), 4 * 32, jnp.int32),
         jnp.zeros((half,), jnp.int32)]
    )
    dd = jnp.concatenate([dst, loop, jnp.full((half,), N, jnp.int32)])
    roll = (IP // 2 // K) // 2
    pgr = jnp.roll(pg.reshape(-1, K), roll, axis=0)
    ddr = jnp.roll(dd.reshape(-1, K), roll, axis=0)
    gl = jnp.stack([xg.reshape(-1, K), pgr], axis=1).reshape(-1)
    dl = jnp.stack([dd.reshape(-1, K), ddr], axis=1).reshape(-1)
    pair = (emb_table[:, None, :] + emb_table[None, :, :]).reshape(1024, D)
    out = _propagate(x, pair, gl, dl)
    return out[:N]

# --- scband reference (transcript-rebuilt; emitter-appended) ---
"""Pipeline reference for scband-casalayer-31731218382891 (READ-ONLY COPY).

The authoritative reference and input builder live on the scoring server;
editing this copy changes nothing except your own understanding.
"""

import jax, jax.numpy as jnp
import numpy as np

N = 10000
E = 320000
D = 128
DEP_VOCAB = 32  # embedding table covers dep codes (<30) and the self-loop code 4

def setup_inputs(seed: int = 0) -> dict:
    key = jax.random.key(seed)
    k1, k2, k3, k4 = jax.random.split(key, 4)
    x = jax.random.normal(k1, (N, D), dtype=jnp.float32)
    e_feat = jax.random.randint(k2, (2, E), 0, N)
    e_attr = jax.random.randint(k3, (E, 2), 0, 30)
    emb_table = jax.random.normal(k4, (DEP_VOCAB, D), dtype=jnp.float32) * 0.02
    return {"x": x, "e_feat": e_feat, "e_attr": e_attr, "emb_table": emb_table}

def reference(x, e_feat, e_attr, emb_table):
    n = x.shape[0]
    # add_self_loops on the edge index
    loop = jnp.arange(n, dtype=e_feat.dtype)
    ei = jnp.concatenate([e_feat, jnp.stack([loop, loop], axis=0)], axis=1)
    # self-loop edge attributes: first col = 4, second col = 0
    self_attr = jnp.concatenate(
        [jnp.full((n, 1), 4, dtype=e_attr.dtype), jnp.zeros((n, 1), dtype=e_attr.dtype)],
        axis=0 if False else 1,
    )
    ea = jnp.concatenate([e_attr, self_attr], axis=0)
    # edge embeddings: sum of two label-graph embeddings
    e_emb = jnp.take(emb_table, ea[:, 0], axis=0) + jnp.take(emb_table, ea[:, 1], axis=0)
    # message: x_j + e_attr ; aggregate: scatter-add over destination nodes
    src = ei[0]
    dst = ei[1]
    msg = jnp.take(x, src, axis=0) + e_emb
    out = jax.ops.segment_sum(msg, dst, num_segments=n)
    return out

if __name__ == "__main__":
    import jax
    _d = setup_inputs()
    print(jax.jit(kernel)(*tuple(_d.values())))

</pallas_src>

<mosaic_0001>
#map = affine_map<(d0, d1) -> (0, 0)>
#map1 = affine_map<(d0, d1) -> (0)>
#map2 = affine_map<(d0, d1) -> (0, 0, 0)>
module attributes {stable_mosaic.version = 14 : i64} {
  func.func @_sc_kernel(%arg0: i32, %arg1: i32, %arg2: memref<10000x128xf32, #tpu.memory_space<hbm>>, %arg3: memref<1024x128xf32, #tpu.memory_space<hbm>>, %arg4: memref<663552xi32, #tpu.memory_space<hbm>>, %arg5: memref<663552xi32, #tpu.memory_space<hbm>>, %arg6: memref<2x10240x128xf32, #tpu.memory_space<hbm>>, %arg7: memref<10240x128xf32, #tpu.memory_space<vmem_shared>>, %arg8: memref<1024x128xf32, #tpu.memory_space<vmem_shared>>, %arg9: memref<4x2x64xi32, #tpu.memory_space<vmem>>, %arg10: memref<4x64x128xf32, #tpu.memory_space<vmem>>, %arg11: memref<32x128xf32, #tpu.memory_space<vmem>>, %arg12: memref<4x!tpu.dma_semaphore, #tpu.memory_space<semaphore_mem>>, %arg13: memref<4x!tpu.dma_semaphore, #tpu.memory_space<semaphore_mem>>) attributes {dimension_semantics = [#tpu.dimension_semantics<core_parallel>, #tpu.dimension_semantics<subcore_parallel>], iteration_bounds = array<i64: 2, 16>, scalar_prefetch = 0 : i64, scratch_operands = 7 : i64, tpu.core_type = #tpu.core_type<sc_vector_subcore>, window_params = [{transform_indices = #map}, {transform_indices = #map}, {transform_indices = #map1}, {transform_indices = #map1}, {transform_indices = #map2}]} {
    %broadcast_in_dim3A = arith.constant 0.000000e+00 : f32
    %broadcast_in_dim3A_0 = vector.broadcast %broadcast_in_dim3A : f32 to vector<16xf32>
    %scan3A = arith.constant 0 : i32
    %scan3A_1 = arith.constant 0 : i32
    %scan3A_2 = arith.constant 32 : i32
    %scan3A_3 = arith.addi %scan3A_1, %scan3A_2 : i32
    %scan3A_4 = arith.constant 1 : i32
    scf.for %scan3A_134 = %scan3A_1 to %scan3A_3 step %scan3A_4  : i32 {
      %swap3A = arith.index_cast %scan3A_134 : i32 to index
      %swap3A_135 = arith.constant 0 : index
      %swap3A_136 = tpu.vector_load %arg11[%swap3A, %swap3A_135] {strides = array<i32>} : memref<32x128xf32, #tpu.memory_space<vmem>>, vector<1x16xf32>,
      %swap3A_137 = vector.shape_cast %swap3A_136 : vector<1x16xf32> to vector<16xf32>
      %swap3A_138 = vector.shape_cast %broadcast_in_dim3A_0 : vector<16xf32> to vector<1x16xf32>
      tpu.vector_store %arg11[%swap3A, %swap3A_135], %swap3A_138 {strides = array<i32>} : memref<32x128xf32, #tpu.memory_space<vmem>>, vector<1x16xf32>,
      %swap3A_139 = arith.index_cast %scan3A_134 : i32 to index
      %swap3A_140 = arith.constant 16 : index
      %swap3A_141 = tpu.vector_load %arg11[%swap3A_139, %swap3A_140] {strides = array<i32>} : memref<32x128xf32, #tpu.memory_space<vmem>>, vector<1x16xf32>,
      %swap3A_142 = vector.shape_cast %swap3A_141 : vector<1x16xf32> to vector<16xf32>
      %swap3A_143 = vector.shape_cast %broadcast_in_dim3A_0 : vector<16xf32> to vector<1x16xf32>
      tpu.vector_store %arg11[%swap3A_139, %swap3A_140], %swap3A_143 {strides = array<i32>} : memref<32x128xf32, #tpu.memory_space<vmem>>, vector<1x16xf32>,
      %swap3A_144 = arith.index_cast %scan3A_134 : i32 to index
      %swap3A_145 = arith.constant 32 : index
      %swap3A_146 = tpu.vector_load %arg11[%swap3A_144, %swap3A_145] {strides = array<i32>} : memref<32x128xf32, #tpu.memory_space<vmem>>, vector<1x16xf32>,
      %swap3A_147 = vector.shape_cast %swap3A_146 : vector<1x16xf32> to vector<16xf32>
      %swap3A_148 = vector.shape_cast %broadcast_in_dim3A_0 : vector<16xf32> to vector<1x16xf32>
      tpu.vector_store %arg11[%swap3A_144, %swap3A_145], %swap3A_148 {strides = array<i32>} : memref<32x128xf32, #tpu.memory_space<vmem>>, vector<1x16xf32>,
      %swap3A_149 = arith.index_cast %scan3A_134 : i32 to index
      %swap3A_150 = arith.constant 48 : index
      %swap3A_151 = tpu.vector_load %arg11[%swap3A_149, %swap3A_150] {strides = array<i32>} : memref<32x128xf32, #tpu.memory_space<vmem>>, vector<1x16xf32>,
      %swap3A_152 = vector.shape_cast %swap3A_151 : vector<1x16xf32> to vector<16xf32>
      %swap3A_153 = vector.shape_cast %broadcast_in_dim3A_0 : vector<16xf32> to vector<1x16xf32>
      tpu.vector_store %arg11[%swap3A_149, %swap3A_150], %swap3A_153 {strides = array<i32>} : memref<32x128xf32, #tpu.memory_space<vmem>>, vector<1x16xf32>,
      %swap3A_154 = arith.index_cast %scan3A_134 : i32 to index
      %swap3A_155 = arith.constant 64 : index
      %swap3A_156 = tpu.vector_load %arg11[%swap3A_154, %swap3A_155] {strides = array<i32>} : memref<32x128xf32, #tpu.memory_space<vmem>>, vector<1x16xf32>,
      %swap3A_157 = vector.shape_cast %swap3A_156 : vector<1x16xf32> to vector<16xf32>
      %swap3A_158 = vector.shape_cast %broadcast_in_dim3A_0 : vector<16xf32> to vector<1x16xf32>
      tpu.vector_store %arg11[%swap3A_154, %swap3A_155], %swap3A_158 {strides = array<i32>} : memref<32x128xf32, #tpu.memory_space<vmem>>, vector<1x16xf32>,
      %swap3A_159 = arith.index_cast %scan3A_134 : i32 to index
      %swap3A_160 = arith.constant 80 : index
      %swap3A_161 = tpu.vector_load %arg11[%swap3A_159, %swap3A_160] {strides = array<i32>} : memref<32x128xf32, #tpu.memory_space<vmem>>, vector<1x16xf32>,
      %swap3A_162 = vector.shape_cast %swap3A_161 : vector<1x16xf32> to vector<16xf32>
      %swap3A_163 = vector.shape_cast %broadcast_in_dim3A_0 : vector<16xf32> to vector<1x16xf32>
      tpu.vector_store %arg11[%swap3A_159, %swap3A_160], %swap3A_163 {strides = array<i32>} : memref<32x128xf32, #tpu.memory_space<vmem>>, vector<1x16xf32>,
      %swap3A_164 = arith.index_cast %scan3A_134 : i32 to index
      %swap3A_165 = arith.constant 96 : index
      %swap3A_166 = tpu.vector_load %arg11[%swap3A_164, %swap3A_165] {strides = array<i32>} : memref<32x128xf32, #tpu.memory_space<vmem>>, vector<1x16xf32>,
      %swap3A_167 = vector.shape_cast %swap3A_166 : vector<1x16xf32> to vector<16xf32>
      %swap3A_168 = vector.shape_cast %broadcast_in_dim3A_0 : vector<16xf32> to vector<1x16xf32>
      tpu.vector_store %arg11[%swap3A_164, %swap3A_165], %swap3A_168 {strides = array<i32>} : memref<32x128xf32, #tpu.memory_space<vmem>>, vector<1x16xf32>,
      %swap3A_169 = arith.index_cast %scan3A_134 : i32 to index
      %swap3A_170 = arith.constant 112 : index
      %swap3A_171 = tpu.vector_load %arg11[%swap3A_169, %swap3A_170] {strides = array<i32>} : memref<32x128xf32, #tpu.memory_space<vmem>>, vector<1x16xf32>,
      %swap3A_172 = vector.shape_cast %swap3A_171 : vector<1x16xf32> to vector<16xf32>
      %swap3A_173 = vector.shape_cast %broadcast_in_dim3A_0 : vector<16xf32> to vector<1x16xf32>
      tpu.vector_store %arg11[%swap3A_169, %swap3A_170], %swap3A_173 {strides = array<i32>} : memref<32x128xf32, #tpu.memory_space<vmem>>, vector<1x16xf32>,
    }
    %scan3A_5 = arith.constant 32 : i32
    %mul3A = arith.constant 640 : i32
    %mul3A_6 = arith.muli %arg1, %mul3A : i32
    %scan3A_7 = arith.constant 0 : i32
    %scan3A_8 = arith.constant 0 : i32
    %scan3A_9 = arith.constant 20 : i32
    %scan3A_10 = arith.addi %scan3A_8, %scan3A_9 : i32
    %scan3A_11 = arith.constant 1 : i32
    scf.for %scan3A_134 = %scan3A_8 to %scan3A_10 step %scan3A_11  : i32 {
      %mul3A_135 = arith.constant 32 : i32
      %mul3A_136 = arith.muli %scan3A_134, %mul3A_135 : i32
      %add3A_137 = arith.addi %mul3A_6, %mul3A_136 : i32
      "tpu.region"() ({
        %run_scoped3A_138 = tpu.sem_alloc : memref<!tpu.dma_semaphore, #tpu.memory_space<semaphore_mem>>
        %dma_start3A_139 = arith.constant 0 : i32
        %dma_start3A_140 = tpu.memref_slice %arg7[%add3A_137, %dma_start3A_139] : memref<10240x128xf32, #tpu.memory_space<vmem_shared>> -> memref<32x128xf32, #tpu.memory_space<vmem_shared>>
        %dma_start3A_141 = arith.constant 0 : i32
        %dma_start3A_142 = tpu.memref_slice %arg7[%add3A_137, %dma_start3A_141] : memref<10240x128xf32, #tpu.memory_space<vmem_shared>> -> memref<32x128xf32, #tpu.memory_space<vmem_shared>>
        tpu.enqueue_dma source(%arg11 : memref<32x128xf32, #tpu.memory_space<vmem>>) target(%dma_start3A_142 : memref<32x128xf32, #tpu.memory_space<vmem_shared>>) target_semaphore(%run_scoped3A_138 : memref<!tpu.dma_semaphore, #tpu.memory_space<semaphore_mem>>)
        %dma_wait3A_143 = arith.constant 0 : i32
        %dma_wait3A_144 = tpu.memref_slice %arg7[%add3A_137, %dma_wait3A_143] : memref<10240x128xf32, #tpu.memory_space<vmem_shared>> -> memref<32x128xf32, #tpu.memory_space<vmem_shared>>
        %dma_wait3A_145 = arith.constant 0 : i32
        %dma_wait3A_146 = tpu.memref_slice %arg7[%add3A_137, %dma_wait3A_145] : memref<10240x128xf32, #tpu.memory_space<vmem_shared>> -> memref<32x128xf32, #tpu.memory_space<vmem_shared>>
        tpu.wait_dma2 semaphore(%run_scoped3A_138 : memref<!tpu.dma_semaphore, #tpu.memory_space<semaphore_mem>>) src(%arg11 : memref<32x128xf32, #tpu.memory_space<vmem>>) dst(%dma_wait3A_146 : memref<32x128xf32, #tpu.memory_space<vmem_shared>>)
        tpu.yield
      }) : () -> ()
    }
    %scan3A_12 = arith.constant 20 : i32
    %mul3A_13 = arith.constant 64 : i32
    %mul3A_14 = arith.muli %arg1, %mul3A_13 : i32
    %mul3A_15 = arith.constant 64 : i32
    %mul3A_16 = arith.muli %arg1, %mul3A_15 : i32
    "tpu.region"() ({
      %run_scoped3A_134 = tpu.sem_alloc : memref<!tpu.dma_semaphore, #tpu.memory_space<semaphore_mem>>
      %dma_start3A_135 = arith.constant 0 : i32
      %dma_start3A_136 = tpu.memref_slice %arg8[%mul3A_16, %dma_start3A_135] : memref<1024x128xf32, #tpu.memory_space<vmem_shared>> -> memref<64x128xf32, #tpu.memory_space<vmem_shared>>
      %dma_start3A_137 = arith.constant 0 : i32
      %dma_start3A_138 = tpu.memref_slice %arg3[%mul3A_14, %dma_start3A_137] : memref<1024x128xf32, #tpu.memory_space<hbm>> -> memref<64x128xf32, #tpu.memory_space<hbm>>
      tpu.enqueue_dma source(%dma_start3A_138 : memref<64x128xf32, #tpu.memory_space<hbm>>) target(%dma_start3A_136 : memref<64x128xf32, #tpu.memory_space<vmem_shared>>) target_semaphore(%run_scoped3A_134 : memref<!tpu.dma_semaphore, #tpu.memory_space<semaphore_mem>>)
      %dma_wait3A_139 = arith.constant 0 : i32
      %dma_wait3A_140 = tpu.memref_slice %arg8[%mul3A_16, %dma_wait3A_139] : memref<1024x128xf32, #tpu.memory_space<vmem_shared>> -> memref<64x128xf32, #tpu.memory_space<vmem_shared>>
      %dma_wait3A_141 = arith.constant 0 : i32
      %dma_wait3A_142 = tpu.memref_slice %arg3[%mul3A_14, %dma_wait3A_141] : memref<1024x128xf32, #tpu.memory_space<hbm>> -> memref<64x128xf32, #tpu.memory_space<hbm>>
      tpu.wait_dma2 semaphore(%run_scoped3A_134 : memref<!tpu.dma_semaphore, #tpu.memory_space<semaphore_mem>>) src(%dma_wait3A_142 : memref<64x128xf32, #tpu.memory_space<hbm>>) dst(%dma_wait3A_140 : memref<64x128xf32, #tpu.memory_space<vmem_shared>>)
      tpu.yield
    }) : () -> ()
    %barrier3A = arith.constant 0 : index
    tpu.barrier barrier_id(%barrier3A)
    %eq3A = arith.constant 0 : i32
    %eq3A_17 = arith.cmpi eq, %arg0, %eq3A : i32
    %jit3A = arith.constant 368 : i32
    %jit3A_18 = arith.constant 280 : i32
    %select_n3A = arith.select %eq3A_17, %jit3A, %jit3A_18 : i32
    %eq3A_19 = arith.constant 0 : i32
    %eq3A_20 = arith.cmpi eq, %arg0, %eq3A_19 : i32
    %mul3A_21 = arith.constant 23552 : i32
    %mul3A_22 = arith.muli %arg1, %mul3A_21 : i32
    %mul3A_23 = arith.constant 17920 : i32
    %mul3A_24 = arith.muli %arg1, %mul3A_23 : i32
    %add3A = arith.constant 376832 : i32
    %add3A_25 = arith.addi %add3A, %mul3A_24 : i32
    %select_n3A_26 = arith.select %eq3A_20, %mul3A_22, %add3A_25 : i32
    %add3A_27 = arith.constant 0 : i32
    %add3A_28 = arith.addi %select_n3A_26, %add3A_27 : i32
    %run_scoped3A = arith.constant 0 : i32
    %run_scoped3A_29 = arith.constant 0 : i32
    "tpu.region"() ({
      %run_scoped3A_134 = tpu.sem_alloc : memref<!tpu.dma_semaphore, #tpu.memory_space<semaphore_mem>>
      %dma_start3A_135 = arith.constant 0 : i32
      %dma_start3A_136 = tpu.memref_slice %arg9[%run_scoped3A, %run_scoped3A_29, %dma_start3A_135] : memref<4x2x64xi32, #tpu.memory_space<vmem>> -> memref<1x1x64xi32, #tpu.memory_space<vmem>>
      %dma_start3A_137 = tpu.memref_squeeze %dma_start3A_136 : memref<1x1x64xi32, #tpu.memory_space<vmem>> -> memref<64xi32, #tpu.memory_space<vmem>>
      %dma_start3A_138 = tpu.memref_slice %arg4[%add3A_28] : memref<663552xi32, #tpu.memory_space<hbm>> -> memref<64xi32, #tpu.memory_space<hbm>>
      %dma_start3A_139 = arith.constant 0 : i32
      %dma_start3A_140 = tpu.memref_slice %arg9[%run_scoped3A, %run_scoped3A_29, %dma_start3A_139] : memref<4x2x64xi32, #tpu.memory_space<vmem>> -> memref<1x1x64xi32, #tpu.memory_space<vmem>>
      %dma_start3A_141 = tpu.memref_squeeze %dma_start3A_140 : memref<1x1x64xi32, #tpu.memory_space<vmem>> -> memref<64xi32, #tpu.memory_space<vmem>>
      %dma_start3A_142 = tpu.memref_slice %arg4[%add3A_28] : memref<663552xi32, #tpu.memory_space<hbm>> -> memref<64xi32, #tpu.memory_space<hbm>>
      tpu.enqueue_dma source(%dma_start3A_142 : memref<64xi32, #tpu.memory_space<hbm>>) target(%dma_start3A_141 : memref<64xi32, #tpu.memory_space<vmem>>) target_semaphore(%run_scoped3A_134 : memref<!tpu.dma_semaphore, #tpu.memory_space<semaphore_mem>>)
      %dma_wait3A_143 = arith.constant 0 : i32
      %dma_wait3A_144 = tpu.memref_slice %arg9[%run_scoped3A, %run_scoped3A_29, %dma_wait3A_143] : memref<4x2x64xi32, #tpu.memory_space<vmem>> -> memref<1x1x64xi32, #tpu.memory_space<vmem>>
      %dma_wait3A_145 = tpu.memref_squeeze %dma_wait3A_144 : memref<1x1x64xi32, #tpu.memory_space<vmem>> -> memref<64xi32, #tpu.memory_space<vmem>>
      %dma_wait3A_146 = tpu.memref_slice %arg4[%add3A_28] : memref<663552xi32, #tpu.memory_space<hbm>> -> memref<64xi32, #tpu.memory_space<hbm>>
      %dma_wait3A_147 = arith.constant 0 : i32
      %dma_wait3A_148 = tpu.memref_slice %arg9[%run_scoped3A, %run_scoped3A_29, %dma_wait3A_147] : memref<4x2x64xi32, #tpu.memory_space<vmem>> -> memref<1x1x64xi32, #tpu.memory_space<vmem>>
      %dma_wait3A_149 = tpu.memref_squeeze %dma_wait3A_148 : memref<1x1x64xi32, #tpu.memory_space<vmem>> -> memref<64xi32, #tpu.memory_space<vmem>>
      %dma_wait3A_150 = tpu.memref_slice %arg4[%add3A_28] : memref<663552xi32, #tpu.memory_space<hbm>> -> memref<64xi32, #tpu.memory_space<hbm>>
      tpu.wait_dma2 semaphore(%run_scoped3A_134 : memref<!tpu.dma_semaphore, #tpu.memory_space<semaphore_mem>>) src(%dma_wait3A_150 : memref<64xi32, #tpu.memory_space<hbm>>) dst(%dma_wait3A_149 : memref<64xi32, #tpu.memory_space<vmem>>)
      tpu.yield
    }) : () -> ()
    %run_scoped3A_30 = arith.constant 0 : i32
    %run_scoped3A_31 = arith.constant 1 : i32
    "tpu.region"() ({
      %run_scoped3A_134 = tpu.sem_alloc : memref<!tpu.dma_semaphore, #tpu.memory_space<semaphore_mem>>
      %dma_start3A_135 = arith.constant 0 : i32
      %dma_start3A_136 = tpu.memref_slice %arg9[%run_scoped3A_30, %run_scoped3A_31, %dma_start3A_135] : memref<4x2x64xi32, #tpu.memory_space<vmem>> -> memref<1x1x64xi32, #tpu.memory_space<vmem>>
      %dma_start3A_137 = tpu.memref_squeeze %dma_start3A_136 : memref<1x1x64xi32, #tpu.memory_space<vmem>> -> memref<64xi32, #tpu.memory_space<vmem>>
      %dma_start3A_138 = tpu.memref_slice %arg5[%add3A_28] : memref<663552xi32, #tpu.memory_space<hbm>> -> memref<64xi32, #tpu.memory_space<hbm>>
      %dma_start3A_139 = arith.constant 0 : i32
      %dma_start3A_140 = tpu.memref_slice %arg9[%run_scoped3A_30, %run_scoped3A_31, %dma_start3A_139] : memref<4x2x64xi32, #tpu.memory_space<vmem>> -> memref<1x1x64xi32, #tpu.memory_space<vmem>>
      %dma_start3A_141 = tpu.memref_squeeze %dma_start3A_140 : memref<1x1x64xi32, #tpu.memory_space<vmem>> -> memref<64xi32, #tpu.memory_space<vmem>>
      %dma_start3A_142 = tpu.memref_slice %arg5[%add3A_28] : memref<663552xi32, #tpu.memory_space<hbm>> -> memref<64xi32, #tpu.memory_space<hbm>>
      tpu.enqueue_dma source(%dma_start3A_142 : memref<64xi32, #tpu.memory_space<hbm>>) target(%dma_start3A_141 : memref<64xi32, #tpu.memory_space<vmem>>) target_semaphore(%run_scoped3A_134 : memref<!tpu.dma_semaphore, #tpu.memory_space<semaphore_mem>>)
      %dma_wait3A_143 = arith.constant 0 : i32
      %dma_wait3A_144 = tpu.memref_slice %arg9[%run_scoped3A_30, %run_scoped3A_31, %dma_wait3A_143] : memref<4x2x64xi32, #tpu.memory_space<vmem>> -> memref<1x1x64xi32, #tpu.memory_space<vmem>>
      %dma_wait3A_145 = tpu.memref_squeeze %dma_wait3A_144 : memref<1x1x64xi32, #tpu.memory_space<vmem>> -> memref<64xi32, #tpu.memory_space<vmem>>
      %dma_wait3A_146 = tpu.memref_slice %arg5[%add3A_28] : memref<663552xi32, #tpu.memory_space<hbm>> -> memref<64xi32, #tpu.memory_space<hbm>>
      %dma_wait3A_147 = arith.constant 0 : i32
      %dma_wait3A_148 = tpu.memref_slice %arg9[%run_scoped3A_30, %run_scoped3A_31, %dma_wait3A_147] : memref<4x2x64xi32, #tpu.memory_space<vmem>> -> memref<1x1x64xi32, #tpu.memory_space<vmem>>
      %dma_wait3A_149 = tpu.memref_squeeze %dma_wait3A_148 : memref<1x1x64xi32, #tpu.memory_space<vmem>> -> memref<64xi32, #tpu.memory_space<vmem>>
      %dma_wait3A_150 = tpu.memref_slice %arg5[%add3A_28] : memref<663552xi32, #tpu.memory_space<hbm>> -> memref<64xi32, #tpu.memory_space<hbm>>
      tpu.wait_dma2 semaphore(%run_scoped3A_134 : memref<!tpu.dma_semaphore, #tpu.memory_space<semaphore_mem>>) src(%dma_wait3A_150 : memref<64xi32, #tpu.memory_space<hbm>>) dst(%dma_wait3A_149 : memref<64xi32, #tpu.memory_space<vmem>>)
      tpu.yield
    }) : () -> ()
    %dma_start3A = arith.constant 0 : i32
    %dma_start3A_32 = arith.constant 0 : i32
    %dma_start3A_33 = arith.constant 0 : i32
    %dma_start3A_34 = arith.constant 0 : i32
    %dma_start3A_35 = arith.constant 0 : i32
    %dma_start3A_36 = arith.constant 0 : i32
    %dma_start3A_37 = tpu.memref_slice %arg10[%dma_start3A_33, %dma_start3A_35, %dma_start3A_36] : memref<4x64x128xf32, #tpu.memory_space<vmem>> -> memref<1x64x128xf32, #tpu.memory_space<vmem>>
    %dma_start3A_38 = tpu.memref_squeeze %dma_start3A_37 : memref<1x64x128xf32, #tpu.memory_space<vmem>> -> memref<64x128xf32, #tpu.memory_space<vmem>>
    %dma_start3A_39 = arith.constant 0 : i32
    %dma_start3A_40 = tpu.memref_slice %arg9[%dma_start3A, %dma_start3A_32, %dma_start3A_39] : memref<4x2x64xi32, #tpu.memory_space<vmem>> -> memref<1x1x64xi32, #tpu.memory_space<vmem>>
    %dma_start3A_41 = tpu.memref_squeeze %dma_start3A_40 : memref<1x1x64xi32, #tpu.memory_space<vmem>> -> memref<64xi32, #tpu.memory_space<vmem>>
    %dma_start3A_42 = arith.constant 0 : i32
    %dma_start3A_43 = arith.constant 0 : i32
    %dma_start3A_44 = tpu.memref_slice %arg2[%dma_start3A_42, %dma_start3A_43] : memref<10000x128xf32, #tpu.memory_space<hbm>> -> memref<10000x128xf32, #tpu.memory_space<hbm>>
    %dma_start3A_45 = tpu.memref_slice %arg12[%dma_start3A_34] : memref<4x!tpu.dma_semaphore, #tpu.memory_space<semaphore_mem>> -> memref<1x!tpu.dma_semaphore, #tpu.memory_space<semaphore_mem>>
    %dma_start3A_46 = tpu.memref_squeeze %dma_start3A_45 : memref<1x!tpu.dma_semaphore, #tpu.memory_space<semaphore_mem>> -> memref<!tpu.dma_semaphore, #tpu.memory_space<semaphore_mem>>
    tpu.enqueue_indirect_dma source(%dma_start3A_44 : memref<10000x128xf32, #tpu.memory_space<hbm>>) target(%dma_start3A_38 : memref<64x128xf32, #tpu.memory_space<vmem>>) offsets(%dma_start3A_41 : memref<64xi32, #tpu.memory_space<vmem>>) semaphore(%dma_start3A_46 : memref<!tpu.dma_semaphore, #tpu.memory_space<semaphore_mem>>)
    %add3A_47 = arith.constant 64 : i32
    %add3A_48 = arith.addi %select_n3A_26, %add3A_47 : i32
    %run_scoped3A_49 = arith.constant 1 : i32
    %run_scoped3A_50 = arith.constant 0 : i32
    "tpu.region"() ({
      %run_scoped3A_134 = tpu.sem_alloc : memref<!tpu.dma_semaphore, #tpu.memory_space<semaphore_mem>>
      %dma_start3A_135 = arith.constant 0 : i32
      %dma_start3A_136 = tpu.memref_slice %arg9[%run_scoped3A_49, %run_scoped3A_50, %dma_start3A_135] : memref<4x2x64xi32, #tpu.memory_space<vmem>> -> memref<1x1x64xi32, #tpu.memory_space<vmem>>
      %dma_start3A_137 = tpu.memref_squeeze %dma_start3A_136 : memref<1x1x64xi32, #tpu.memory_space<vmem>> -> memref<64xi32, #tpu.memory_space<vmem>>
      %dma_start3A_138 = tpu.memref_slice %arg4[%add3A_48] : memref<663552xi32, #tpu.memory_space<hbm>> -> memref<64xi32, #tpu.memory_space<hbm>>
      %dma_start3A_139 = arith.constant 0 : i32
      %dma_start3A_140 = tpu.memref_slice %arg9[%run_scoped3A_49, %run_scoped3A_50, %dma_start3A_139] : memref<4x2x64xi32, #tpu.memory_space<vmem>> -> memref<1x1x64xi32, #tpu.memory_space<vmem>>
      %dma_start3A_141 = tpu.memref_squeeze %dma_start3A_140 : memref<1x1x64xi32, #tpu.memory_space<vmem>> -> memref<64xi32, #tpu.memory_space<vmem>>
      %dma_start3A_142 = tpu.memref_slice %arg4[%add3A_48] : memref<663552xi32, #tpu.memory_space<hbm>> -> memref<64xi32, #tpu.memory_space<hbm>>
      tpu.enqueue_dma source(%dma_start3A_142 : memref<64xi32, #tpu.memory_space<hbm>>) target(%dma_start3A_141 : memref<64xi32, #tpu.memory_space<vmem>>) target_semaphore(%run_scoped3A_134 : memref<!tpu.dma_semaphore, #tpu.memory_space<semaphore_mem>>)
      %dma_wait3A_143 = arith.constant 0 : i32
      %dma_wait3A_144 = tpu.memref_slice %arg9[%run_scoped3A_49, %run_scoped3A_50, %dma_wait3A_143] : memref<4x2x64xi32, #tpu.memory_space<vmem>> -> memref<1x1x64xi32, #tpu.memory_space<vmem>>
      %dma_wait3A_145 = tpu.memref_squeeze %dma_wait3A_144 : memref<1x1x64xi32, #tpu.memory_space<vmem>> -> memref<64xi32, #tpu.memory_space<vmem>>
      %dma_wait3A_146 = tpu.memref_slice %arg4[%add3A_48] : memref<663552xi32, #tpu.memory_space<hbm>> -> memref<64xi32, #tpu.memory_space<hbm>>
      %dma_wait3A_147 = arith.constant 0 : i32
      %dma_wait3A_148 = tpu.memref_slice %arg9[%run_scoped3A_49, %run_scoped3A_50, %dma_wait3A_147] : memref<4x2x64xi32, #tpu.memory_space<vmem>> -> memref<1x1x64xi32, #tpu.memory_space<vmem>>
      %dma_wait3A_149 = tpu.memref_squeeze %dma_wait3A_148 : memref<1x1x64xi32, #tpu.memory_space<vmem>> -> memref<64xi32, #tpu.memory_space<vmem>>
      %dma_wait3A_150 = tpu.memref_slice %arg4[%add3A_48] : memref<663552xi32, #tpu.memory_space<hbm>> -> memref<64xi32, #tpu.memory_space<hbm>>
      tpu.wait_dma2 semaphore(%run_scoped3A_134 : memref<!tpu.dma_semaphore, #tpu.memory_space<semaphore_mem>>) src(%dma_wait3A_150 : memref<64xi32, #tpu.memory_space<hbm>>) dst(%dma_wait3A_149 : memref<64xi32, #tpu.memory_space<vmem>>)
      tpu.yield
    }) : () -> ()
    %run_scoped3A_51 = arith.constant 1 : i32
    %run_scoped3A_52 = arith.constant 1 : i32
    "tpu.region"() ({
      %run_scoped3A_134 = tpu.sem_alloc : memref<!tpu.dma_semaphore, #tpu.memory_space<semaphore_mem>>
      %dma_start3A_135 = arith.constant 0 : i32
      %dma_start3A_136 = tpu.memref_slice %arg9[%run_scoped3A_51, %run_scoped3A_52, %dma_start3A_135] : memref<4x2x64xi32, #tpu.memory_space<vmem>> -> memref<1x1x64xi32, #tpu.memory_space<vmem>>
      %dma_start3A_137 = tpu.memref_squeeze %dma_start3A_136 : memref<1x1x64xi32, #tpu.memory_space<vmem>> -> memref<64xi32, #tpu.memory_space<vmem>>
      %dma_start3A_138 = tpu.memref_slice %arg5[%add3A_48] : memref<663552xi32, #tpu.memory_space<hbm>> -> memref<64xi32, #tpu.memory_space<hbm>>
      %dma_start3A_139 = arith.constant 0 : i32
      %dma_start3A_140 = tpu.memref_slice %arg9[%run_scoped3A_51, %run_scoped3A_52, %dma_start3A_139] : memref<4x2x64xi32, #tpu.memory_space<vmem>> -> memref<1x1x64xi32, #tpu.memory_space<vmem>>
      %dma_start3A_141 = tpu.memref_squeeze %dma_start3A_140 : memref<1x1x64xi32, #tpu.memory_space<vmem>> -> memref<64xi32, #tpu.memory_space<vmem>>
      %dma_start3A_142 = tpu.memref_slice %arg5[%add3A_48] : memref<663552xi32, #tpu.memory_space<hbm>> -> memref<64xi32, #tpu.memory_space<hbm>>
      tpu.enqueue_dma source(%dma_start3A_142 : memref<64xi32, #tpu.memory_space<hbm>>) target(%dma_start3A_141 : memref<64xi32, #tpu.memory_space<vmem>>) target_semaphore(%run_scoped3A_134 : memref<!tpu.dma_semaphore, #tpu.memory_space<semaphore_mem>>)
      %dma_wait3A_143 = arith.constant 0 : i32
      %dma_wait3A_144 = tpu.memref_slice %arg9[%run_scoped3A_51, %run_scoped3A_52, %dma_wait3A_143] : memref<4x2x64xi32, #tpu.memory_space<vmem>> -> memref<1x1x64xi32, #tpu.memory_space<vmem>>
      %dma_wait3A_145 = tpu.memref_squeeze %dma_wait3A_144 : memref<1x1x64xi32, #tpu.memory_space<vmem>> -> memref<64xi32, #tpu.memory_space<vmem>>
      %dma_wait3A_146 = tpu.memref_slice %arg5[%add3A_48] : memref<663552xi32, #tpu.memory_space<hbm>> -> memref<64xi32, #tpu.memory_space<hbm>>
      %dma_wait3A_147 = arith.constant 0 : i32
      %dma_wait3A_148 = tpu.memref_slice %arg9[%run_scoped3A_51, %run_scoped3A_52, %dma_wait3A_147] : memref<4x2x64xi32, #tpu.memory_space<vmem>> -> memref<1x1x64xi32, #tpu.memory_space<vmem>>
      %dma_wait3A_149 = tpu.memref_squeeze %dma_wait3A_148 : memref<1x1x64xi32, #tpu.memory_space<vmem>> -> memref<64xi32, #tpu.memory_space<vmem>>
      %dma_wait3A_150 = tpu.memref_slice %arg5[%add3A_48] : memref<663552xi32, #tpu.memory_space<hbm>> -> memref<64xi32, #tpu.memory_space<hbm>>
      tpu.wait_dma2 semaphore(%run_scoped3A_134 : memref<!tpu.dma_semaphore, #tpu.memory_space<semaphore_mem>>) src(%dma_wait3A_150 : memref<64xi32, #tpu.memory_space<hbm>>) dst(%dma_wait3A_149 : memref<64xi32, #tpu.memory_space<vmem>>)
      tpu.yield
    }) : () -> ()
    %dma_start3A_53 = arith.constant 1 : i32
    %dma_start3A_54 = arith.constant 0 : i32
    %dma_start3A_55 = arith.constant 1 : i32
    %dma_start3A_56 = arith.constant 1 : i32
    %dma_start3A_57 = arith.constant 0 : i32
    %dma_start3A_58 = arith.constant 0 : i32
    %dma_start3A_59 = tpu.memref_slice %arg10[%dma_start3A_55, %dma_start3A_57, %dma_start3A_58] : memref<4x64x128xf32, #tpu.memory_space<vmem>> -> memref<1x64x128xf32, #tpu.memory_space<vmem>>
    %dma_start3A_60 = tpu.memref_squeeze %dma_start3A_59 : memref<1x64x128xf32, #tpu.memory_space<vmem>> -> memref<64x128xf32, #tpu.memory_space<vmem>>
    %dma_start3A_61 = arith.constant 0 : i32
    %dma_start3A_62 = tpu.memref_slice %arg9[%dma_start3A_53, %dma_start3A_54, %dma_start3A_61] : memref<4x2x64xi32, #tpu.memory_space<vmem>> -> memref<1x1x64xi32, #tpu.memory_space<vmem>>
    %dma_start3A_63 = tpu.memref_squeeze %dma_start3A_62 : memref<1x1x64xi32, #tpu.memory_space<vmem>> -> memref<64xi32, #tpu.memory_space<vmem>>
    %dma_start3A_64 = arith.constant 0 : i32
    %dma_start3A_65 = arith.constant 0 : i32
    %dma_start3A_66 = tpu.memref_slice %arg8[%dma_start3A_64, %dma_start3A_65] : memref<1024x128xf32, #tpu.memory_space<vmem_shared>> -> memref<1024x128xf32, #tpu.memory_space<vmem_shared>>
    %dma_start3A_67 = tpu.memref_slice %arg12[%dma_start3A_56] : memref<4x!tpu.dma_semaphore, #tpu.memory_space<semaphore_mem>> -> memref<1x!tpu.dma_semaphore, #tpu.memory_space<semaphore_mem>>
    %dma_start3A_68 = tpu.memref_squeeze %dma_start3A_67 : memref<1x!tpu.dma_semaphore, #tpu.memory_space<semaphore_mem>> -> memref<!tpu.dma_semaphore, #tpu.memory_space<semaphore_mem>>
    tpu.enqueue_indirect_dma source(%dma_start3A_66 : memref<1024x128xf32, #tpu.memory_space<vmem_shared>>) target(%dma_start3A_60 : memref<64x128xf32, #tpu.memory_space<vmem>>) offsets(%dma_start3A_63 : memref<64xi32, #tpu.memory_space<vmem>>) semaphore(%dma_start3A_68 : memref<!tpu.dma_semaphore, #tpu.memory_space<semaphore_mem>>)
    %add3A_69 = arith.constant 128 : i32
    %add3A_70 = arith.addi %select_n3A_26, %add3A_69 : i32
    %run_scoped3A_71 = arith.constant 2 : i32
    %run_scoped3A_72 = arith.constant 0 : i32
    "tpu.region"() ({
      %run_scoped3A_134 = tpu.sem_alloc : memref<!tpu.dma_semaphore, #tpu.memory_space<semaphore_mem>>
      %dma_start3A_135 = arith.constant 0 : i32
      %dma_start3A_136 = tpu.memref_slice %arg9[%run_scoped3A_71, %run_scoped3A_72, %dma_start3A_135] : memref<4x2x64xi32, #tpu.memory_space<vmem>> -> memref<1x1x64xi32, #tpu.memory_space<vmem>>
      %dma_start3A_137 = tpu.memref_squeeze %dma_start3A_136 : memref<1x1x64xi32, #tpu.memory_space<vmem>> -> memref<64xi32, #tpu.memory_space<vmem>>
      %dma_start3A_138 = tpu.memref_slice %arg4[%add3A_70] : memref<663552xi32, #tpu.memory_space<hbm>> -> memref<64xi32, #tpu.memory_space<hbm>>
      %dma_start3A_139 = arith.constant 0 : i32
      %dma_start3A_140 = tpu.memref_slice %arg9[%run_scoped3A_71, %run_scoped3A_72, %dma_start3A_139] : memref<4x2x64xi32, #tpu.memory_space<vmem>> -> memref<1x1x64xi32, #tpu.memory_space<vmem>>
      %dma_start3A_141 = tpu.memref_squeeze %dma_start3A_140 : memref<1x1x64xi32, #tpu.memory_space<vmem>> -> memref<64xi32, #tpu.memory_space<vmem>>
      %dma_start3A_142 = tpu.memref_slice %arg4[%add3A_70] : memref<663552xi32, #tpu.memory_space<hbm>> -> memref<64xi32, #tpu.memory_space<hbm>>
      tpu.enqueue_dma source(%dma_start3A_142 : memref<64xi32, #tpu.memory_space<hbm>>) target(%dma_start3A_141 : memref<64xi32, #tpu.memory_space<vmem>>) target_semaphore(%run_scoped3A_134 : memref<!tpu.dma_semaphore, #tpu.memory_space<semaphore_mem>>)
      %dma_wait3A_143 = arith.constant 0 : i32
      %dma_wait3A_144 = tpu.memref_slice %arg9[%run_scoped3A_71, %run_scoped3A_72, %dma_wait3A_143] : memref<4x2x64xi32, #tpu.memory_space<vmem>> -> memref<1x1x64xi32, #tpu.memory_space<vmem>>
      %dma_wait3A_145 = tpu.memref_squeeze %dma_wait3A_144 : memref<1x1x64xi32, #tpu.memory_space<vmem>> -> memref<64xi32, #tpu.memory_space<vmem>>
      %dma_wait3A_146 = tpu.memref_slice %arg4[%add3A_70] : memref<663552xi32, #tpu.memory_space<hbm>> -> memref<64xi32, #tpu.memory_space<hbm>>
      %dma_wait3A_147 = arith.constant 0 : i32
      %dma_wait3A_148 = tpu.memref_slice %arg9[%run_scoped3A_71, %run_scoped3A_72, %dma_wait3A_147] : memref<4x2x64xi32, #tpu.memory_space<vmem>> -> memref<1x1x64xi32, #tpu.memory_space<vmem>>
      %dma_wait3A_149 = tpu.memref_squeeze %dma_wait3A_148 : memref<1x1x64xi32, #tpu.memory_space<vmem>> -> memref<64xi32, #tpu.memory_space<vmem>>
      %dma_wait3A_150 = tpu.memref_slice %arg4[%add3A_70] : memref<663552xi32, #tpu.memory_space<hbm>> -> memref<64xi32, #tpu.memory_space<hbm>>
      tpu.wait_dma2 semaphore(%run_scoped3A_134 : memref<!tpu.dma_semaphore, #tpu.memory_space<semaphore_mem>>) src(%dma_wait3A_150 : memref<64xi32, #tpu.memory_space<hbm>>) dst(%dma_wait3A_149 : memref<64xi32, #tpu.memory_space<vmem>>)
      tpu.yield
    }) : () -> ()
    %run_scoped3A_73 = arith.constant 2 : i32
    %run_scoped3A_74 = arith.constant 1 : i32
    "tpu.region"() ({
      %run_scoped3A_134 = tpu.sem_alloc : memref<!tpu.dma_semaphore, #tpu.memory_space<semaphore_mem>>
      %dma_start3A_135 = arith.constant 0 : i32
      %dma_start3A_136 = tpu.memref_slice %arg9[%run_scoped3A_73, %run_scoped3A_74, %dma_start3A_135] : memref<4x2x64xi32, #tpu.memory_space<vmem>> -> memref<1x1x64xi32, #tpu.memory_space<vmem>>
      %dma_start3A_137 = tpu.memref_squeeze %dma_start3A_136 : memref<1x1x64xi32, #tpu.memory_space<vmem>> -> memref<64xi32, #tpu.memory_space<vmem>>
      %dma_start3A_138 = tpu.memref_slice %arg5[%add3A_70] : memref<663552xi32, #tpu.memory_space<hbm>> -> memref<64xi32, #tpu.memory_space<hbm>>
      %dma_start3A_139 = arith.constant 0 : i32
      %dma_start3A_140 = tpu.memref_slice %arg9[%run_scoped3A_73, %run_scoped3A_74, %dma_start3A_139] : memref<4x2x64xi32, #tpu.memory_space<vmem>> -> memref<1x1x64xi32, #tpu.memory_space<vmem>>
      %dma_start3A_141 = tpu.memref_squeeze %dma_start3A_140 : memref<1x1x64xi32, #tpu.memory_space<vmem>> -> memref<64xi32, #tpu.memory_space<vmem>>
      %dma_start3A_142 = tpu.memref_slice %arg5[%add3A_70] : memref<663552xi32, #tpu.memory_space<hbm>> -> memref<64xi32, #tpu.memory_space<hbm>>
      tpu.enqueue_dma source(%dma_start3A_142 : memref<64xi32, #tpu.memory_space<hbm>>) target(%dma_start3A_141 : memref<64xi32, #tpu.memory_space<vmem>>) target_semaphore(%run_scoped3A_134 : memref<!tpu.dma_semaphore, #tpu.memory_space<semaphore_mem>>)
      %dma_wait3A_143 = arith.constant 0 : i32
      %dma_wait3A_144 = tpu.memref_slice %arg9[%run_scoped3A_73, %run_scoped3A_74, %dma_wait3A_143] : memref<4x2x64xi32, #tpu.memory_space<vmem>> -> memref<1x1x64xi32, #tpu.memory_space<vmem>>
      %dma_wait3A_145 = tpu.memref_squeeze %dma_wait3A_144 : memref<1x1x64xi32, #tpu.memory_space<vmem>> -> memref<64xi32, #tpu.memory_space<vmem>>
      %dma_wait3A_146 = tpu.memref_slice %arg5[%add3A_70] : memref<663552xi32, #tpu.memory_space<hbm>> -> memref<64xi32, #tpu.memory_space<hbm>>
      %dma_wait3A_147 = arith.constant 0 : i32
      %dma_wait3A_148 = tpu.memref_slice %arg9[%run_scoped3A_73, %run_scoped3A_74, %dma_wait3A_147] : memref<4x2x64xi32, #tpu.memory_space<vmem>> -> memref<1x1x64xi32, #tpu.memory_space<vmem>>
      %dma_wait3A_149 = tpu.memref_squeeze %dma_wait3A_148 : memref<1x1x64xi32, #tpu.memory_space<vmem>> -> memref<64xi32, #tpu.memory_space<vmem>>
      %dma_wait3A_150 = tpu.memref_slice %arg5[%add3A_70] : memref<663552xi32, #tpu.memory_space<hbm>> -> memref<64xi32, #tpu.memory_space<hbm>>
      tpu.wait_dma2 semaphore(%run_scoped3A_134 : memref<!tpu.dma_semaphore, #tpu.memory_space<semaphore_mem>>) src(%dma_wait3A_150 : memref<64xi32, #tpu.memory_space<hbm>>) dst(%dma_wait3A_149 : memref<64xi32, #tpu.memory_space<vmem>>)
      tpu.yield
    }) : () -> ()
    %dma_start3A_75 = arith.constant 2 : i32
    %dma_start3A_76 = arith.constant 0 : i32
    %dma_start3A_77 = arith.constant 2 : i32
    %dma_start3A_78 = arith.constant 2 : i32
    %dma_start3A_79 = arith.constant 0 : i32
    %dma_start3A_80 = arith.constant 0 : i32
    %dma_start3A_81 = tpu.memref_slice %arg10[%dma_start3A_77, %dma_start3A_79, %dma_start3A_80] : memref<4x64x128xf32, #tpu.memory_space<vmem>> -> memref<1x64x128xf32, #tpu.memory_space<vmem>>
    %dma_start3A_82 = tpu.memref_squeeze %dma_start3A_81 : memref<1x64x128xf32, #tpu.memory_space<vmem>> -> memref<64x128xf32, #tpu.memory_space<vmem>>
    %dma_start3A_83 = arith.constant 0 : i32
    %dma_start3A_84 = tpu.memref_slice %arg9[%dma_start3A_75, %dma_start3A_76, %dma_start3A_83] : memref<4x2x64xi32, #tpu.memory_space<vmem>> -> memref<1x1x64xi32, #tpu.memory_space<vmem>>
    %dma_start3A_85 = tpu.memref_squeeze %dma_start3A_84 : memref<1x1x64xi32, #tpu.memory_space<vmem>> -> memref<64xi32, #tpu.memory_space<vmem>>
    %dma_start3A_86 = arith.constant 0 : i32
    %dma_start3A_87 = arith.constant 0 : i32
    %dma_start3A_88 = tpu.memref_slice %arg2[%dma_start3A_86, %dma_start3A_87] : memref<10000x128xf32, #tpu.memory_space<hbm>> -> memref<10000x128xf32, #tpu.memory_space<hbm>>
    %dma_start3A_89 = tpu.memref_slice %arg12[%dma_start3A_78] : memref<4x!tpu.dma_semaphore, #tpu.memory_space<semaphore_mem>> -> memref<1x!tpu.dma_semaphore, #tpu.memory_space<semaphore_mem>>
    %dma_start3A_90 = tpu.memref_squeeze %dma_start3A_89 : memref<1x!tpu.dma_semaphore, #tpu.memory_space<semaphore_mem>> -> memref<!tpu.dma_semaphore, #tpu.memory_space<semaphore_mem>>
    tpu.enqueue_indirect_dma source(%dma_start3A_88 : memref<10000x128xf32, #tpu.memory_space<hbm>>) target(%dma_start3A_82 : memref<64x128xf32, #tpu.memory_space<vmem>>) offsets(%dma_start3A_85 : memref<64xi32, #tpu.memory_space<vmem>>) semaphore(%dma_start3A_90 : memref<!tpu.dma_semaphore, #tpu.memory_space<semaphore_mem>>)
    %jit3A_91 = arith.constant 4 : i32
    %div3A = arith.divsi %select_n3A, %jit3A_91 : i32
    %sign3A = arith.constant 0 : i32
    %sign3A_92 = arith.cmpi sgt, %select_n3A, %sign3A : i32
    %sign3A_93 = arith.extui %sign3A_92 : i1 to i32
    %sign3A_94 = arith.constant 0 : i32
    %sign3A_95 = arith.cmpi slt, %select_n3A, %sign3A_94 : i32
    %sign3A_96 = arith.extui %sign3A_95 : i1 to i32
    %sign3A_97 = arith.subi %sign3A_93, %sign3A_96 : i32
    %sign3A_98 = arith.constant 0 : i32
    %sign3A_99 = arith.cmpi sgt, %jit3A_91, %sign3A_98 : i32
    %sign3A_100 = arith.extui %sign3A_99 : i1 to i32
    %sign3A_101 = arith.constant 0 : i32
    %sign3A_102 = arith.cmpi slt, %jit3A_91, %sign3A_101 : i32
    %sign3A_103 = arith.extui %sign3A_102 : i1 to i32
    %sign3A_104 = arith.subi %sign3A_100, %sign3A_103 : i32
    %ne3A = arith.cmpi ne, %sign3A_97, %sign3A_104 : i32
    %rem3A = arith.remsi %select_n3A, %jit3A_91 : i32
    %ne3A_105 = arith.constant 0 : i32
    %ne3A_106 = arith.cmpi ne, %rem3A, %ne3A_105 : i32
    %and3A = arith.andi %ne3A, %ne3A_106 : i1
    %sub3A = arith.constant 1 : i32
    %sub3A_107 = arith.subi %div3A, %sub3A : i32
    %select_n3A_108 = arith.select %and3A, %sub3A_107, %div3A : i32
    %while3A = arith.constant 0 : i32
    %while3A_109 = arith.constant 0 : i32
    %while3A_110 = arith.subi %select_n3A_108, %while3A_109 : i32
    %while3A_111 = arith.addi %while3A_109, %while3A_110 : i32
    %while3A_112 = arith.constant 1 : i32
    %while3A_113 = arith.divsi %while3A_110, %while3A_112 : i32
    %while3A_114 = arith.muli %while3A_113, %while3A_112 : i32
    %while3A_115 = arith.addi %while3A_109, %while3A_114 : i32
    %while3A_116 = arith.constant 1 : i32
    scf.for %while3A_134 = %while3A_109 to %while3A_115 step %while3A_116  : i32 {
      %mul3A_135 = arith.constant 4 : i32
      %mul3A_136 = arith.muli %mul3A_135, %while3A_134 : i32
      %add3A_137 = arith.constant 0 : i32
      %add3A_138 = arith.addi %mul3A_136, %add3A_137 : i32
      %dma_wait3A_139 = arith.constant 0 : i32
      %dma_wait3A_140 = arith.constant 0 : i32
      %dma_wait3A_141 = arith.constant 0 : i32
      %dma_wait3A_142 = arith.constant 0 : i32
      %dma_wait3A_143 = arith.constant 0 : i32
      %dma_wait3A_144 = arith.constant 0 : i32
      %dma_wait3A_145 = tpu.memref_slice %arg10[%dma_wait3A_141, %dma_wait3A_143, %dma_wait3A_144] : memref<4x64x128xf32, #tpu.memory_space<vmem>> -> memref<1x64x128xf32, #tpu.memory_space<vmem>>
      %dma_wait3A_146 = tpu.memref_squeeze %dma_wait3A_145 : memref<1x64x128xf32, #tpu.memory_space<vmem>> -> memref<64x128xf32, #tpu.memory_space<vmem>>
      %dma_wait3A_147 = arith.constant 0 : i32
      %dma_wait3A_148 = tpu.memref_slice %arg9[%dma_wait3A_139, %dma_wait3A_140, %dma_wait3A_147] : memref<4x2x64xi32, #tpu.memory_space<vmem>> -> memref<1x1x64xi32, #tpu.memory_space<vmem>>
      %dma_wait3A_149 = tpu.memref_squeeze %dma_wait3A_148 : memref<1x1x64xi32, #tpu.memory_space<vmem>> -> memref<64xi32, #tpu.memory_space<vmem>>
      %dma_wait3A_150 = arith.constant 0 : i32
      %dma_wait3A_151 = arith.constant 0 : i32
      %dma_wait3A_152 = tpu.memref_slice %arg2[%dma_wait3A_150, %dma_wait3A_151] : memref<10000x128xf32, #tpu.memory_space<hbm>> -> memref<10000x128xf32, #tpu.memory_space<hbm>>
      %dma_wait3A_153 = tpu.memref_slice %arg12[%dma_wait3A_142] : memref<4x!tpu.dma_semaphore, #tpu.memory_space<semaphore_mem>> -> memref<1x!tpu.dma_semaphore, #tpu.memory_space<semaphore_mem>>
      %dma_wait3A_154 = tpu.memref_squeeze %dma_wait3A_153 : memref<1x!tpu.dma_semaphore, #tpu.memory_space<semaphore_mem>> -> memref<!tpu.dma_semaphore, #tpu.memory_space<semaphore_mem>>
      tpu.wait_indirect_dma semaphore(%dma_wait3A_154 : memref<!tpu.dma_semaphore, #tpu.memory_space<semaphore_mem>>) src(%dma_wait3A_152 : memref<10000x128xf32, #tpu.memory_space<hbm>>) dst(%dma_wait3A_146 : memref<64x128xf32, #tpu.memory_space<vmem>>)
      %dma_start3A_155 = arith.constant 0 : i32
      %dma_start3A_156 = arith.constant 0 : i32
      %dma_start3A_157 = arith.constant 1 : i32
      %dma_start3A_158 = arith.constant 0 : i32
      %dma_start3A_159 = arith.constant 0 : i32
      %dma_start3A_160 = arith.constant 0 : i32
      %dma_start3A_161 = tpu.memref_slice %arg10[%dma_start3A_155, %dma_start3A_159, %dma_start3A_160] : memref<4x64x128xf32, #tpu.memory_space<vmem>> -> memref<1x64x128xf32, #tpu.memory_space<vmem>>
      %dma_start3A_162 = tpu.memref_squeeze %dma_start3A_161 : memref<1x64x128xf32, #tpu.memory_space<vmem>> -> memref<64x128xf32, #tpu.memory_space<vmem>>
      %dma_start3A_163 = arith.constant 0 : i32
      %dma_start3A_164 = tpu.memref_slice %arg9[%dma_start3A_156, %dma_start3A_157, %dma_start3A_163] : memref<4x2x64xi32, #tpu.memory_space<vmem>> -> memref<1x1x64xi32, #tpu.memory_space<vmem>>
      %dma_start3A_165 = tpu.memref_squeeze %dma_start3A_164 : memref<1x1x64xi32, #tpu.memory_space<vmem>> -> memref<64xi32, #tpu.memory_space<vmem>>
      %dma_start3A_166 = arith.constant 0 : i32
      %dma_start3A_167 = arith.constant 0 : i32
      %dma_start3A_168 = tpu.memref_slice %arg7[%dma_start3A_166, %dma_start3A_167] : memref<10240x128xf32, #tpu.memory_space<vmem_shared>> -> memref<10240x128xf32, #tpu.memory_space<vmem_shared>>
      %dma_start3A_169 = tpu.memref_slice %arg13[%dma_start3A_158] : memref<4x!tpu.dma_semaphore, #tpu.memory_space<semaphore_mem>> -> memref<1x!tpu.dma_semaphore, #tpu.memory_space<semaphore_mem>>
      %dma_start3A_170 = tpu.memref_squeeze %dma_start3A_169 : memref<1x!tpu.dma_semaphore, #tpu.memory_space<semaphore_mem>> -> memref<!tpu.dma_semaphore, #tpu.memory_space<semaphore_mem>>
      tpu.enqueue_indirect_dma source(%dma_start3A_162 : memref<64x128xf32, #tpu.memory_space<vmem>>) target(%dma_start3A_168 : memref<10240x128xf32, #tpu.memory_space<vmem_shared>>) offsets(%dma_start3A_165 : memref<64xi32, #tpu.memory_space<vmem>>) semaphore(%dma_start3A_170 : memref<!tpu.dma_semaphore, #tpu.memory_space<semaphore_mem>>) {add = true}
      %ge3A = arith.constant 1 : i32
      %ge3A_171 = arith.cmpi sge, %add3A_138, %ge3A : i32
      %convert_element_type3A = arith.extui %ge3A_171 : i1 to i32
      %cond3A = arith.constant 0 : i32
      %cond3A_172 = arith.cmpi ne, %convert_element_type3A, %cond3A : i32
      scf.if %cond3A_172 {
        %dma_wait3A_327 = arith.constant 3 : i32
        %dma_wait3A_328 = arith.constant 3 : i32
        %dma_wait3A_329 = arith.constant 1 : i32
        %dma_wait3A_330 = arith.constant 3 : i32
        %dma_wait3A_331 = arith.constant 0 : i32
        %dma_wait3A_332 = arith.constant 0 : i32
        %dma_wait3A_333 = tpu.memref_slice %arg10[%dma_wait3A_327, %dma_wait3A_331, %dma_wait3A_332] : memref<4x64x128xf32, #tpu.memory_space<vmem>> -> memref<1x64x128xf32, #tpu.memory_space<vmem>>
        %dma_wait3A_334 = tpu.memref_squeeze %dma_wait3A_333 : memref<1x64x128xf32, #tpu.memory_space<vmem>> -> memref<64x128xf32, #tpu.memory_space<vmem>>
        %dma_wait3A_335 = arith.constant 0 : i32
        %dma_wait3A_336 = tpu.memref_slice %arg9[%dma_wait3A_328, %dma_wait3A_329, %dma_wait3A_335] : memref<4x2x64xi32, #tpu.memory_space<vmem>> -> memref<1x1x64xi32, #tpu.memory_space<vmem>>
        %dma_wait3A_337 = tpu.memref_squeeze %dma_wait3A_336 : memref<1x1x64xi32, #tpu.memory_space<vmem>> -> memref<64xi32, #tpu.memory_space<vmem>>
        %dma_wait3A_338 = arith.constant 0 : i32
        %dma_wait3A_339 = arith.constant 0 : i32
        %dma_wait3A_340 = tpu.memref_slice %arg7[%dma_wait3A_338, %dma_wait3A_339] : memref<10240x128xf32, #tpu.memory_space<vmem_shared>> -> memref<10240x128xf32, #tpu.memory_space<vmem_shared>>
        %dma_wait3A_341 = tpu.memref_slice %arg13[%dma_wait3A_330] : memref<4x!tpu.dma_semaphore, #tpu.memory_space<semaphore_mem>> -> memref<1x!tpu.dma_semaphore, #tpu.memory_space<semaphore_mem>>
        %dma_wait3A_342 = tpu.memref_squeeze %dma_wait3A_341 : memref<1x!tpu.dma_semaphore, #tpu.memory_space<semaphore_mem>> -> memref<!tpu.dma_semaphore, #tpu.memory_space<semaphore_mem>>
        tpu.wait_indirect_dma semaphore(%dma_wait3A_342 : memref<!tpu.dma_semaphore, #tpu.memory_space<semaphore_mem>>) src(%dma_wait3A_334 : memref<64x128xf32, #tpu.memory_space<vmem>>) dst(%dma_wait3A_340 : memref<10240x128xf32, #tpu.memory_space<vmem_shared>>)
      } else {
      }
      %add3A_173 = arith.constant 4 : i32
      %add3A_174 = arith.addi %add3A_138, %add3A_173 : i32
      %sub3A_175 = arith.constant 1 : i32
      %sub3A_176 = arith.subi %add3A_174, %sub3A_175 : i32
      %lt3A = arith.cmpi slt, %sub3A_176, %select_n3A : i32
      %convert_element_type3A_177 = arith.extui %lt3A : i1 to i32
      %cond3A_178 = arith.constant 0 : i32
      %cond3A_179 = arith.cmpi ne, %convert_element_type3A_177, %cond3A_178 : i32
      scf.if %cond3A_179 {
        %add3A_327 = arith.constant 4 : i32
        %add3A_328 = arith.addi %add3A_138, %add3A_327 : i32
        %sub3A_329 = arith.constant 1 : i32
        %sub3A_330 = arith.subi %add3A_328, %sub3A_329 : i32
        %mul3A_331 = arith.constant 64 : i32
        %mul3A_332 = arith.muli %sub3A_330, %mul3A_331 : i32
        %add3A_333 = arith.addi %select_n3A_26, %mul3A_332 : i32
        %run_scoped3A_334 = arith.constant 3 : i32
        %run_scoped3A_335 = arith.constant 0 : i32
        "tpu.region"() ({
          %run_scoped3A_354 = tpu.sem_alloc : memref<!tpu.dma_semaphore, #tpu.memory_space<semaphore_mem>>
          %dma_start3A_355 = arith.constant 0 : i32
          %dma_start3A_356 = tpu.memref_slice %arg9[%run_scoped3A_334, %run_scoped3A_335, %dma_start3A_355] : memref<4x2x64xi32, #tpu.memory_space<vmem>> -> memref<1x1x64xi32, #tpu.memory_space<vmem>>
          %dma_start3A_357 = tpu.memref_squeeze %dma_start3A_356 : memref<1x1x64xi32, #tpu.memory_space<vmem>> -> memref<64xi32, #tpu.memory_space<vmem>>
          %dma_start3A_358 = tpu.memref_slice %arg4[%add3A_333] : memref<663552xi32, #tpu.memory_space<hbm>> -> memref<64xi32, #tpu.memory_space<hbm>>
          %dma_start3A_359 = arith.constant 0 : i32
          %dma_start3A_360 = tpu.memref_slice %arg9[%run_scoped3A_334, %run_scoped3A_335, %dma_start3A_359] : memref<4x2x64xi32, #tpu.memory_space<vmem>> -> memref<1x1x64xi32, #tpu.memory_space<vmem>>
          %dma_start3A_361 = tpu.memref_squeeze %dma_start3A_360 : memref<1x1x64xi32, #tpu.memory_space<vmem>> -> memref<64xi32, #tpu.memory_space<vmem>>
          %dma_start3A_362 = tpu.memref_slice %arg4[%add3A_333] : memref<663552xi32, #tpu.memory_space<hbm>> -> memref<64xi32, #tpu.memory_space<hbm>>
          tpu.enqueue_dma source(%dma_start3A_362 : memref<64xi32, #tpu.memory_space<hbm>>) target(%dma_start3A_361 : memref<64xi32, #tpu.memory_space<vmem>>) target_semaphore(%run_scoped3A_354 : memref<!tpu.dma_semaphore, #tpu.memory_space<semaphore_mem>>)
          %dma_wait3A_363 = arith.constant 0 : i32
          %dma_wait3A_364 = tpu.memref_slice %arg9[%run_scoped3A_334, %run_scoped3A_335, %dma_wait3A_363] : memref<4x2x64xi32, #tpu.memory_space<vmem>> -> memref<1x1x64xi32, #tpu.memory_space<vmem>>
          %dma_wait3A_365 = tpu.memref_squeeze %dma_wait3A_364 : memref<1x1x64xi32, #tpu.memory_space<vmem>> -> memref<64xi32, #tpu.memory_space<vmem>>
          %dma_wait3A_366 = tpu.memref_slice %arg4[%add3A_333] : memref<663552xi32, #tpu.memory_space<hbm>> -> memref<64xi32, #tpu.memory_space<hbm>>
          %dma_wait3A_367 = arith.constant 0 : i32
          %dma_wait3A_368 = tpu.memref_slice %arg9[%run_scoped3A_334, %run_scoped3A_335, %dma_wait3A_367] : memref<4x2x64xi32, #tpu.memory_space<vmem>> -> memref<1x1x64xi32, #tpu.memory_space<vmem>>
          %dma_wait3A_369 = tpu.memref_squeeze %dma_wait3A_368 : memref<1x1x64xi32, #tpu.memory_space<vmem>> -> memref<64xi32, #tpu.memory_space<vmem>>
          %dma_wait3A_370 = tpu.memref_slice %arg4[%add3A_333] : memref<663552xi32, #tpu.memory_space<hbm>> -> memref<64xi32, #tpu.memory_space<hbm>>
          tpu.wait_dma2 semaphore(%run_scoped3A_354 : memref<!tpu.dma_semaphore, #tpu.memory_space<semaphore_mem>>) src(%dma_wait3A_370 : memref<64xi32, #tpu.memory_space<hbm>>) dst(%dma_wait3A_369 : memref<64xi32, #tpu.memory_space<vmem>>)
          tpu.yield
        }) : () -> ()
        %run_scoped3A_336 = arith.constant 3 : i32
        %run_scoped3A_337 = arith.constant 1 : i32
        "tpu.region"() ({
          %run_scoped3A_354 = tpu.sem_alloc : memref<!tpu.dma_semaphore, #tpu.memory_space<semaphore_mem>>
          %dma_start3A_355 = arith.constant 0 : i32
          %dma_start3A_356 = tpu.memref_slice %arg9[%run_scoped3A_336, %run_scoped3A_337, %dma_start3A_355] : memref<4x2x64xi32, #tpu.memory_space<vmem>> -> memref<1x1x64xi32, #tpu.memory_space<vmem>>
          %dma_start3A_357 = tpu.memref_squeeze %dma_start3A_356 : memref<1x1x64xi32, #tpu.memory_space<vmem>> -> memref<64xi32, #tpu.memory_space<vmem>>
          %dma_start3A_358 = tpu.memref_slice %arg5[%add3A_333] : memref<663552xi32, #tpu.memory_space<hbm>> -> memref<64xi32, #tpu.memory_space<hbm>>
          %dma_start3A_359 = arith.constant 0 : i32
          %dma_start3A_360 = tpu.memref_slice %arg9[%run_scoped3A_336, %run_scoped3A_337, %dma_start3A_359] : memref<4x2x64xi32, #tpu.memory_space<vmem>> -> memref<1x1x64xi32, #tpu.memory_space<vmem>>
          %dma_start3A_361 = tpu.memref_squeeze %dma_start3A_360 : memref<1x1x64xi32, #tpu.memory_space<vmem>> -> memref<64xi32, #tpu.memory_space<vmem>>
          %dma_start3A_362 = tpu.memref_slice %arg5[%add3A_333] : memref<663552xi32, #tpu.memory_space<hbm>> -> memref<64xi32, #tpu.memory_space<hbm>>
          tpu.enqueue_dma source(%dma_start3A_362 : memref<64xi32, #tpu.memory_space<hbm>>) target(%dma_start3A_361 : memref<64xi32, #tpu.memory_space<vmem>>) target_semaphore(%run_scoped3A_354 : memref<!tpu.dma_semaphore, #tpu.memory_space<semaphore_mem>>)
          %dma_wait3A_363 = arith.constant 0 : i32
          %dma_wait3A_364 = tpu.memref_slice %arg9[%run_scoped3A_336, %run_scoped3A_337, %dma_wait3A_363] : memref<4x2x64xi32, #tpu.memory_space<vmem>> -> memref<1x1x64xi32, #tpu.memory_space<vmem>>
          %dma_wait3A_365 = tpu.memref_squeeze %dma_wait3A_364 : memref<1x1x64xi32, #tpu.memory_space<vmem>> -> memref<64xi32, #tpu.memory_space<vmem>>
          %dma_wait3A_366 = tpu.memref_slice %arg5[%add3A_333] : memref<663552xi32, #tpu.memory_space<hbm>> -> memref<64xi32, #tpu.memory_space<hbm>>
          %dma_wait3A_367 = arith.constant 0 : i32
          %dma_wait3A_368 = tpu.memref_slice %arg9[%run_scoped3A_336, %run_scoped3A_337, %dma_wait3A_367] : memref<4x2x64xi32, #tpu.memory_space<vmem>> -> memref<1x1x64xi32, #tpu.memory_space<vmem>>
          %dma_wait3A_369 = tpu.memref_squeeze %dma_wait3A_368 : memref<1x1x64xi32, #tpu.memory_space<vmem>> -> memref<64xi32, #tpu.memory_space<vmem>>
          %dma_wait3A_370 = tpu.memref_slice %arg5[%add3A_333] : memref<663552xi32, #tpu.memory_space<hbm>> -> memref<64xi32, #tpu.memory_space<hbm>>
          tpu.wait_dma2 semaphore(%run_scoped3A_354 : memref<!tpu.dma_semaphore, #tpu.memory_space<semaphore_mem>>) src(%dma_wait3A_370 : memref<64xi32, #tpu.memory_space<hbm>>) dst(%dma_wait3A_369 : memref<64xi32, #tpu.memory_space<vmem>>)
          tpu.yield
        }) : () -> ()
        %dma_start3A_338 = arith.constant 3 : i32
        %dma_start3A_339 = arith.constant 0 : i32
        %dma_start3A_340 = arith.constant 3 : i32
        %dma_start3A_341 = arith.constant 3 : i32
        %dma_start3A_342 = arith.constant 0 : i32
        %dma_start3A_343 = arith.constant 0 : i32
        %dma_start3A_344 = tpu.memref_slice %arg10[%dma_start3A_340, %dma_start3A_342, %dma_start3A_343] : memref<4x64x128xf32, #tpu.memory_space<vmem>> -> memref<1x64x128xf32, #tpu.memory_space<vmem>>
        %dma_start3A_345 = tpu.memref_squeeze %dma_start3A_344 : memref<1x64x128xf32, #tpu.memory_space<vmem>> -> memref<64x128xf32, #tpu.memory_space<vmem>>
        %dma_start3A_346 = arith.constant 0 : i32
        %dma_start3A_347 = tpu.memref_slice %arg9[%dma_start3A_338, %dma_start3A_339, %dma_start3A_346] : memref<4x2x64xi32, #tpu.memory_space<vmem>> -> memref<1x1x64xi32, #tpu.memory_space<vmem>>
        %dma_start3A_348 = tpu.memref_squeeze %dma_start3A_347 : memref<1x1x64xi32, #tpu.memory_space<vmem>> -> memref<64xi32, #tpu.memory_space<vmem>>
        %dma_start3A_349 = arith.constant 0 : i32
        %dma_start3A_350 = arith.constant 0 : i32
        %dma_start3A_351 = tpu.memref_slice %arg8[%dma_start3A_349, %dma_start3A_350] : memref<1024x128xf32, #tpu.memory_space<vmem_shared>> -> memref<1024x128xf32, #tpu.memory_space<vmem_shared>>
        %dma_start3A_352 = tpu.memref_slice %arg12[%dma_start3A_341] : memref<4x!tpu.dma_semaphore, #tpu.memory_space<semaphore_mem>> -> memref<1x!tpu.dma_semaphore, #tpu.memory_space<semaphore_mem>>
        %dma_start3A_353 = tpu.memref_squeeze %dma_start3A_352 : memref<1x!tpu.dma_semaphore, #tpu.memory_space<semaphore_mem>> -> memref<!tpu.dma_semaphore, #tpu.memory_space<semaphore_mem>>
        tpu.enqueue_indirect_dma source(%dma_start3A_351 : memref<1024x128xf32, #tpu.memory_space<vmem_shared>>) target(%dma_start3A_345 : memref<64x128xf32, #tpu.memory_space<vmem>>) offsets(%dma_start3A_348 : memref<64xi32, #tpu.memory_space<vmem>>) semaphore(%dma_start3A_353 : memref<!tpu.dma_semaphore, #tpu.memory_space<semaphore_mem>>)
      } else {
      }
      %mul3A_180 = arith.constant 4 : i32
      %mul3A_181 = arith.muli %mul3A_180, %while3A_134 : i32
      %add3A_182 = arith.constant 1 : i32
      %add3A_183 = arith.addi %mul3A_181, %add3A_182 : i32
      %dma_wait3A_184 = arith.constant 1 : i32
      %dma_wait3A_185 = arith.constant 0 : i32
      %dma_wait3A_186 = arith.constant 1 : i32
      %dma_wait3A_187 = arith.constant 1 : i32
      %dma_wait3A_188 = arith.constant 0 : i32
      %dma_wait3A_189 = arith.constant 0 : i32
      %dma_wait3A_190 = tpu.memref_slice %arg10[%dma_wait3A_186, %dma_wait3A_188, %dma_wait3A_189] : memref<4x64x128xf32, #tpu.memory_space<vmem>> -> memref<1x64x128xf32, #tpu.memory_space<vmem>>
      %dma_wait3A_191 = tpu.memref_squeeze %dma_wait3A_190 : memref<1x64x128xf32, #tpu.memory_space<vmem>> -> memref<64x128xf32, #tpu.memory_space<vmem>>
      %dma_wait3A_192 = arith.constant 0 : i32
      %dma_wait3A_193 = tpu.memref_slice %arg9[%dma_wait3A_184, %dma_wait3A_185, %dma_wait3A_192] : memref<4x2x64xi32, #tpu.memory_space<vmem>> -> memref<1x1x64xi32, #tpu.memory_space<vmem>>
      %dma_wait3A_194 = tpu.memref_squeeze %dma_wait3A_193 : memref<1x1x64xi32, #tpu.memory_space<vmem>> -> memref<64xi32, #tpu.memory_space<vmem>>
      %dma_wait3A_195 = arith.constant 0 : i32
      %dma_wait3A_196 = arith.constant 0 : i32
      %dma_wait3A_197 = tpu.memref_slice %arg8[%dma_wait3A_195, %dma_wait3A_196] : memref<1024x128xf32, #tpu.memory_space<vmem_shared>> -> memref<1024x128xf32, #tpu.memory_space<vmem_shared>>
      %dma_wait3A_198 = tpu.memref_slice %arg12[%dma_wait3A_187] : memref<4x!tpu.dma_semaphore, #tpu.memory_space<semaphore_mem>> -> memref<1x!tpu.dma_semaphore, #tpu.memory_space<semaphore_mem>>
      %dma_wait3A_199 = tpu.memref_squeeze %dma_wait3A_198 : memref<1x!tpu.dma_semaphore, #tpu.memory_space<semaphore_mem>> -> memref<!tpu.dma_semaphore, #tpu.memory_space<semaphore_mem>>
      tpu.wait_indirect_dma semaphore(%dma_wait3A_199 : memref<!tpu.dma_semaphore, #tpu.memory_space<semaphore_mem>>) src(%dma_wait3A_197 : memref<1024x128xf32, #tpu.memory_space<vmem_shared>>) dst(%dma_wait3A_191 : memref<64x128xf32, #tpu.memory_space<vmem>>)
      %dma_start3A_200 = arith.constant 1 : i32
      %dma_start3A_201 = arith.constant 1 : i32
      %dma_start3A_202 = arith.constant 1 : i32
      %dma_start3A_203 = arith.constant 1 : i32
      %dma_start3A_204 = arith.constant 0 : i32
      %dma_start3A_205 = arith.constant 0 : i32
      %dma_start3A_206 = tpu.memref_slice %arg10[%dma_start3A_200, %dma_start3A_204, %dma_start3A_205] : memref<4x64x128xf32, #tpu.memory_space<vmem>> -> memref<1x64x128xf32, #tpu.memory_space<vmem>>
      %dma_start3A_207 = tpu.memref_squeeze %dma_start3A_206 : memref<1x64x128xf32, #tpu.memory_space<vmem>> -> memref<64x128xf32, #tpu.memory_space<vmem>>
      %dma_start3A_208 = arith.constant 0 : i32
      %dma_start3A_209 = tpu.memref_slice %arg9[%dma_start3A_201, %dma_start3A_202, %dma_start3A_208] : memref<4x2x64xi32, #tpu.memory_space<vmem>> -> memref<1x1x64xi32, #tpu.memory_space<vmem>>
      %dma_start3A_210 = tpu.memref_squeeze %dma_start3A_209 : memref<1x1x64xi32, #tpu.memory_space<vmem>> -> memref<64xi32, #tpu.memory_space<vmem>>
      %dma_start3A_211 = arith.constant 0 : i32
      %dma_start3A_212 = arith.constant 0 : i32
      %dma_start3A_213 = tpu.memref_slice %arg7[%dma_start3A_211, %dma_start3A_212] : memref<10240x128xf32, #tpu.memory_space<vmem_shared>> -> memref<10240x128xf32, #tpu.memory_space<vmem_shared>>
      %dma_start3A_214 = tpu.memref_slice %arg13[%dma_start3A_203] : memref<4x!tpu.dma_semaphore, #tpu.memory_space<semaphore_mem>> -> memref<1x!tpu.dma_semaphore, #tpu.memory_space<semaphore_mem>>
      %dma_start3A_215 = tpu.memref_squeeze %dma_start3A_214 : memref<1x!tpu.dma_semaphore, #tpu.memory_space<semaphore_mem>> -> memref<!tpu.dma_semaphore, #tpu.memory_space<semaphore_mem>>
      tpu.enqueue_indirect_dma source(%dma_start3A_207 : memref<64x128xf32, #tpu.memory_space<vmem>>) target(%dma_start3A_213 : memref<10240x128xf32, #tpu.memory_space<vmem_shared>>) offsets(%dma_start3A_210 : memref<64xi32, #tpu.memory_space<vmem>>) semaphore(%dma_start3A_215 : memref<!tpu.dma_semaphore, #tpu.memory_space<semaphore_mem>>) {add = true}
      %ge3A_216 = arith.constant 1 : i32
      %ge3A_217 = arith.cmpi sge, %add3A_183, %ge3A_216 : i32
      %convert_element_type3A_218 = arith.extui %ge3A_217 : i1 to i32
      %cond3A_219 = arith.constant 0 : i32
      %cond3A_220 = arith.cmpi ne, %convert_element_type3A_218, %cond3A_219 : i32
      scf.if %cond3A_220 {
        %dma_wait3A_327 = arith.constant 0 : i32
        %dma_wait3A_328 = arith.constant 0 : i32
        %dma_wait3A_329 = arith.constant 1 : i32
        %dma_wait3A_330 = arith.constant 0 : i32
        %dma_wait3A_331 = arith.constant 0 : i32
        %dma_wait3A_332 = arith.constant 0 : i32
        %dma_wait3A_333 = tpu.memref_slice %arg10[%dma_wait3A_327, %dma_wait3A_331, %dma_wait3A_332] : memref<4x64x128xf32, #tpu.memory_space<vmem>> -> memref<1x64x128xf32, #tpu.memory_space<vmem>>
        %dma_wait3A_334 = tpu.memref_squeeze %dma_wait3A_333 : memref<1x64x128xf32, #tpu.memory_space<vmem>> -> memref<64x128xf32, #tpu.memory_space<vmem>>
        %dma_wait3A_335 = arith.constant 0 : i32
        %dma_wait3A_336 = tpu.memref_slice %arg9[%dma_wait3A_328, %dma_wait3A_329, %dma_wait3A_335] : memref<4x2x64xi32, #tpu.memory_space<vmem>> -> memref<1x1x64xi32, #tpu.memory_space<vmem>>
        %dma_wait3A_337 = tpu.memref_squeeze %dma_wait3A_336 : memref<1x1x64xi32, #tpu.memory_space<vmem>> -> memref<64xi32, #tpu.memory_space<vmem>>
        %dma_wait3A_338 = arith.constant 0 : i32
        %dma_wait3A_339 = arith.constant 0 : i32
        %dma_wait3A_340 = tpu.memref_slice %arg7[%dma_wait3A_338, %dma_wait3A_339] : memref<10240x128xf32, #tpu.memory_space<vmem_shared>> -> memref<10240x128xf32, #tpu.memory_space<vmem_shared>>
        %dma_wait3A_341 = tpu.memref_slice %arg13[%dma_wait3A_330] : memref<4x!tpu.dma_semaphore, #tpu.memory_space<semaphore_mem>> -> memref<1x!tpu.dma_semaphore, #tpu.memory_space<semaphore_mem>>
        %dma_wait3A_342 = tpu.memref_squeeze %dma_wait3A_341 : memref<1x!tpu.dma_semaphore, #tpu.memory_space<semaphore_mem>> -> memref<!tpu.dma_semaphore, #tpu.memory_space<semaphore_mem>>
        tpu.wait_indirect_dma semaphore(%dma_wait3A_342 : memref<!tpu.dma_semaphore, #tpu.memory_space<semaphore_mem>>) src(%dma_wait3A_334 : memref<64x128xf32, #tpu.memory_space<vmem>>) dst(%dma_wait3A_340 : memref<10240x128xf32, #tpu.memory_space<vmem_shared>>)
      } else {
      }
      %add3A_221 = arith.constant 4 : i32
      %add3A_222 = arith.addi %add3A_183, %add3A_221 : i32
      %sub3A_223 = arith.constant 1 : i32
      %sub3A_224 = arith.subi %add3A_222, %sub3A_223 : i32
      %lt3A_225 = arith.cmpi slt, %sub3A_224, %select_n3A : i32
      %convert_element_type3A_226 = arith.extui %lt3A_225 : i1 to i32
      %cond3A_227 = arith.constant 0 : i32
      %cond3A_228 = arith.cmpi ne, %convert_element_type3A_226, %cond3A_227 : i32
      scf.if %cond3A_228 {
        %add3A_327 = arith.constant 4 : i32
        %add3A_328 = arith.addi %add3A_183, %add3A_327 : i32
        %sub3A_329 = arith.constant 1 : i32
        %sub3A_330 = arith.subi %add3A_328, %sub3A_329 : i32
        %mul3A_331 = arith.constant 64 : i32
        %mul3A_332 = arith.muli %sub3A_330, %mul3A_331 : i32
        %add3A_333 = arith.addi %select_n3A_26, %mul3A_332 : i32
        %run_scoped3A_334 = arith.constant 0 : i32
        %run_scoped3A_335 = arith.constant 0 : i32
        "tpu.region"() ({
          %run_scoped3A_354 = tpu.sem_alloc : memref<!tpu.dma_semaphore, #tpu.memory_space<semaphore_mem>>
          %dma_start3A_355 = arith.constant 0 : i32
          %dma_start3A_356 = tpu.memref_slice %arg9[%run_scoped3A_334, %run_scoped3A_335, %dma_start3A_355] : memref<4x2x64xi32, #tpu.memory_space<vmem>> -> memref<1x1x64xi32, #tpu.memory_space<vmem>>
          %dma_start3A_357 = tpu.memref_squeeze %dma_start3A_356 : memref<1x1x64xi32, #tpu.memory_space<vmem>> -> memref<64xi32, #tpu.memory_space<vmem>>
          %dma_start3A_358 = tpu.memref_slice %arg4[%add3A_333] : memref<663552xi32, #tpu.memory_space<hbm>> -> memref<64xi32, #tpu.memory_space<hbm>>
          %dma_start3A_359 = arith.constant 0 : i32
          %dma_start3A_360 = tpu.memref_slice %arg9[%run_scoped3A_334, %run_scoped3A_335, %dma_start3A_359] : memref<4x2x64xi32, #tpu.memory_space<vmem>> -> memref<1x1x64xi32, #tpu.memory_space<vmem>>
          %dma_start3A_361 = tpu.memref_squeeze %dma_start3A_360 : memref<1x1x64xi32, #tpu.memory_space<vmem>> -> memref<64xi32, #tpu.memory_space<vmem>>
          %dma_start3A_362 = tpu.memref_slice %arg4[%add3A_333] : memref<663552xi32, #tpu.memory_space<hbm>> -> memref<64xi32, #tpu.memory_space<hbm>>
          tpu.enqueue_dma source(%dma_start3A_362 : memref<64xi32, #tpu.memory_space<hbm>>) target(%dma_start3A_361 : memref<64xi32, #tpu.memory_space<vmem>>) target_semaphore(%run_scoped3A_354 : memref<!tpu.dma_semaphore, #tpu.memory_space<semaphore_mem>>)
          %dma_wait3A_363 = arith.constant 0 : i32
          %dma_wait3A_364 = tpu.memref_slice %arg9[%run_scoped3A_334, %run_scoped3A_335, %dma_wait3A_363] : memref<4x2x64xi32, #tpu.memory_space<vmem>> -> memref<1x1x64xi32, #tpu.memory_space<vmem>>
          %dma_wait3A_365 = tpu.memref_squeeze %dma_wait3A_364 : memref<1x1x64xi32, #tpu.memory_space<vmem>> -> memref<64xi32, #tpu.memory_space<vmem>>
          %dma_wait3A_366 = tpu.memref_slice %arg4[%add3A_333] : memref<663552xi32, #tpu.memory_space<hbm>> -> memref<64xi32, #tpu.memory_space<hbm>>
          %dma_wait3A_367 = arith.constant 0 : i32
          %dma_wait3A_368 = tpu.memref_slice %arg9[%run_scoped3A_334, %run_scoped3A_335, %dma_wait3A_367] : memref<4x2x64xi32, #tpu.memory_space<vmem>> -> memref<1x1x64xi32, #tpu.memory_space<vmem>>
          %dma_wait3A_369 = tpu.memref_squeeze %dma_wait3A_368 : memref<1x1x64xi32, #tpu.memory_space<vmem>> -> memref<64xi32, #tpu.memory_space<vmem>>
          %dma_wait3A_370 = tpu.memref_slice %arg4[%add3A_333] : memref<663552xi32, #tpu.memory_space<hbm>> -> memref<64xi32, #tpu.memory_space<hbm>>
          tpu.wait_dma2 semaphore(%run_scoped3A_354 : memref<!tpu.dma_semaphore, #tpu.memory_space<semaphore_mem>>) src(%dma_wait3A_370 : memref<64xi32, #tpu.memory_space<hbm>>) dst(%dma_wait3A_369 : memref<64xi32, #tpu.memory_space<vmem>>)
          tpu.yield
        }) : () -> ()
        %run_scoped3A_336 = arith.constant 0 : i32
        %run_scoped3A_337 = arith.constant 1 : i32
        "tpu.region"() ({
          %run_scoped3A_354 = tpu.sem_alloc : memref<!tpu.dma_semaphore, #tpu.memory_space<semaphore_mem>>
          %dma_start3A_355 = arith.constant 0 : i32
          %dma_start3A_356 = tpu.memref_slice %arg9[%run_scoped3A_336, %run_scoped3A_337, %dma_start3A_355] : memref<4x2x64xi32, #tpu.memory_space<vmem>> -> memref<1x1x64xi32, #tpu.memory_space<vmem>>
          %dma_start3A_357 = tpu.memref_squeeze %dma_start3A_356 : memref<1x1x64xi32, #tpu.memory_space<vmem>> -> memref<64xi32, #tpu.memory_space<vmem>>
          %dma_start3A_358 = tpu.memref_slice %arg5[%add3A_333] : memref<663552xi32, #tpu.memory_space<hbm>> -> memref<64xi32, #tpu.memory_space<hbm>>
          %dma_start3A_359 = arith.constant 0 : i32
          %dma_start3A_360 = tpu.memref_slice %arg9[%run_scoped3A_336, %run_scoped3A_337, %dma_start3A_359] : memref<4x2x64xi32, #tpu.memory_space<vmem>> -> memref<1x1x64xi32, #tpu.memory_space<vmem>>
          %dma_start3A_361 = tpu.memref_squeeze %dma_start3A_360 : memref<1x1x64xi32, #tpu.memory_space<vmem>> -> memref<64xi32, #tpu.memory_space<vmem>>
          %dma_start3A_362 = tpu.memref_slice %arg5[%add3A_333] : memref<663552xi32, #tpu.memory_space<hbm>> -> memref<64xi32, #tpu.memory_space<hbm>>
          tpu.enqueue_dma source(%dma_start3A_362 : memref<64xi32, #tpu.memory_space<hbm>>) target(%dma_start3A_361 : memref<64xi32, #tpu.memory_space<vmem>>) target_semaphore(%run_scoped3A_354 : memref<!tpu.dma_semaphore, #tpu.memory_space<semaphore_mem>>)
          %dma_wait3A_363 = arith.constant 0 : i32
          %dma_wait3A_364 = tpu.memref_slice %arg9[%run_scoped3A_336, %run_scoped3A_337, %dma_wait3A_363] : memref<4x2x64xi32, #tpu.memory_space<vmem>> -> memref<1x1x64xi32, #tpu.memory_space<vmem>>
          %dma_wait3A_365 = tpu.memref_squeeze %dma_wait3A_364 : memref<1x1x64xi32, #tpu.memory_space<vmem>> -> memref<64xi32, #tpu.memory_space<vmem>>
          %dma_wait3A_366 = tpu.memref_slice %arg5[%add3A_333] : memref<663552xi32, #tpu.memory_space<hbm>> -> memref<64xi32, #tpu.memory_space<hbm>>
          %dma_wait3A_367 = arith.constant 0 : i32
          %dma_wait3A_368 = tpu.memref_slice %arg9[%run_scoped3A_336, %run_scoped3A_337, %dma_wait3A_367] : memref<4x2x64xi32, #tpu.memory_space<vmem>> -> memref<1x1x64xi32, #tpu.memory_space<vmem>>
          %dma_wait3A_369 = tpu.memref_squeeze %dma_wait3A_368 : memref<1x1x64xi32, #tpu.memory_space<vmem>> -> memref<64xi32, #tpu.memory_space<vmem>>
          %dma_wait3A_370 = tpu.memref_slice %arg5[%add3A_333] : memref<663552xi32, #tpu.memory_space<hbm>> -> memref<64xi32, #tpu.memory_space<hbm>>
          tpu.wait_dma2 semaphore(%run_scoped3A_354 : memref<!tpu.dma_semaphore, #tpu.memory_space<semaphore_mem>>) src(%dma_wait3A_370 : memref<64xi32, #tpu.memory_space<hbm>>) dst(%dma_wait3A_369 : memref<64xi32, #tpu.memory_space<vmem>>)
          tpu.yield
        }) : () -> ()
        %dma_start3A_338 = arith.constant 0 : i32
        %dma_start3A_339 = arith.constant 0 : i32
        %dma_start3A_340 = arith.constant 0 : i32
        %dma_start3A_341 = arith.constant 0 : i32
        %dma_start3A_342 = arith.constant 0 : i32
        %dma_start3A_343 = arith.constant 0 : i32
        %dma_start3A_344 = tpu.memref_slice %arg10[%dma_start3A_340, %dma_start3A_342, %dma_start3A_343] : memref<4x64x128xf32, #tpu.memory_space<vmem>> -> memref<1x64x128xf32, #tpu.memory_space<vmem>>
        %dma_start3A_345 = tpu.memref_squeeze %dma_start3A_344 : memref<1x64x128xf32, #tpu.memory_space<vmem>> -> memref<64x128xf32, #tpu.memory_space<vmem>>
        %dma_start3A_346 = arith.constant 0 : i32
        %dma_start3A_347 = tpu.memref_slice %arg9[%dma_start3A_338, %dma_start3A_339, %dma_start3A_346] : memref<4x2x64xi32, #tpu.memory_space<vmem>> -> memref<1x1x64xi32, #tpu.memory_space<vmem>>
        %dma_start3A_348 = tpu.memref_squeeze %dma_start3A_347 : memref<1x1x64xi32, #tpu.memory_space<vmem>> -> memref<64xi32, #tpu.memory_space<vmem>>
        %dma_start3A_349 = arith.constant 0 : i32
        %dma_start3A_350 = arith.constant 0 : i32
        %dma_start3A_351 = tpu.memref_slice %arg2[%dma_start3A_349, %dma_start3A_350] : memref<10000x128xf32, #tpu.memory_space<hbm>> -> memref<10000x128xf32, #tpu.memory_space<hbm>>
        %dma_start3A_352 = tpu.memref_slice %arg12[%dma_start3A_341] : memref<4x!tpu.dma_semaphore, #tpu.memory_space<semaphore_mem>> -> memref<1x!tpu.dma_semaphore, #tpu.memory_space<semaphore_mem>>
        %dma_start3A_353 = tpu.memref_squeeze %dma_start3A_352 : memref<1x!tpu.dma_semaphore, #tpu.memory_space<semaphore_mem>> -> memref<!tpu.dma_semaphore, #tpu.memory_space<semaphore_mem>>
        tpu.enqueue_indirect_dma source(%dma_start3A_351 : memref<10000x128xf32, #tpu.memory_space<hbm>>) target(%dma_start3A_345 : memref<64x128xf32, #tpu.memory_space<vmem>>) offsets(%dma_start3A_348 : memref<64xi32, #tpu.memory_space<vmem>>) semaphore(%dma_start3A_353 : memref<!tpu.dma_semaphore, #tpu.memory_space<semaphore_mem>>)
      } else {
      }
      %mul3A_229 = arith.constant 4 : i32
      %mul3A_230 = arith.muli %mul3A_229, %while3A_134 : i32
      %add3A_231 = arith.constant 2 : i32
      %add3A_232 = arith.addi %mul3A_230, %add3A_231 : i32
      %dma_wait3A_233 = arith.constant 2 : i32
      %dma_wait3A_234 = arith.constant 0 : i32
      %dma_wait3A_235 = arith.constant 2 : i32
      %dma_wait3A_236 = arith.constant 2 : i32
      %dma_wait3A_237 = arith.constant 0 : i32
      %dma_wait3A_238 = arith.constant 0 : i32
      %dma_wait3A_239 = tpu.memref_slice %arg10[%dma_wait3A_235, %dma_wait3A_237, %dma_wait3A_238] : memref<4x64x128xf32, #tpu.memory_space<vmem>> -> memref<1x64x128xf32, #tpu.memory_space<vmem>>
      %dma_wait3A_240 = tpu.memref_squeeze %dma_wait3A_239 : memref<1x64x128xf32, #tpu.memory_space<vmem>> -> memref<64x128xf32, #tpu.memory_space<vmem>>
      %dma_wait3A_241 = arith.constant 0 : i32
      %dma_wait3A_242 = tpu.memref_slice %arg9[%dma_wait3A_233, %dma_wait3A_234, %dma_wait3A_241] : memref<4x2x64xi32, #tpu.memory_space<vmem>> -> memref<1x1x64xi32, #tpu.memory_space<vmem>>
      %dma_wait3A_243 = tpu.memref_squeeze %dma_wait3A_242 : memref<1x1x64xi32, #tpu.memory_space<vmem>> -> memref<64xi32, #tpu.memory_space<vmem>>
      %dma_wait3A_244 = arith.constant 0 : i32
      %dma_wait3A_245 = arith.constant 0 : i32
      %dma_wait3A_246 = tpu.memref_slice %arg2[%dma_wait3A_244, %dma_wait3A_245] : memref<10000x128xf32, #tpu.memory_space<hbm>> -> memref<10000x128xf32, #tpu.memory_space<hbm>>
      %dma_wait3A_247 = tpu.memref_slice %arg12[%dma_wait3A_236] : memref<4x!tpu.dma_semaphore, #tpu.memory_space<semaphore_mem>> -> memref<1x!tpu.dma_semaphore, #tpu.memory_space<semaphore_mem>>
      %dma_wait3A_248 = tpu.memref_squeeze %dma_wait3A_247 : memref<1x!tpu.dma_semaphore, #tpu.memory_space<semaphore_mem>> -> memref<!tpu.dma_semaphore, #tpu.memory_space<semaphore_mem>>
      tpu.wait_indirect_dma semaphore(%dma_wait3A_248 : memref<!tpu.dma_semaphore, #tpu.memory_space<semaphore_mem>>) src(%dma_wait3A_246 : memref<10000x128xf32, #tpu.memory_space<hbm>>) dst(%dma_wait3A_240 : memref<64x128xf32, #tpu.memory_space<vmem>>)
      %dma_start3A_249 = arith.constant 2 : i32
      %dma_start3A_250 = arith.constant 2 : i32
      %dma_start3A_251 = arith.constant 1 : i32
      %dma_start3A_252 = arith.constant 2 : i32
      %dma_start3A_253 = arith.constant 0 : i32
      %dma_start3A_254 = arith.constant 0 : i32
      %dma_start3A_255 = tpu.memref_slice %arg10[%dma_start3A_249, %dma_start3A_253, %dma_start3A_254] : memref<4x64x128xf32, #tpu.memory_space<vmem>> -> memref<1x64x128xf32, #tpu.memory_space<vmem>>
      %dma_start3A_256 = tpu.memref_squeeze %dma_start3A_255 : memref<1x64x128xf32, #tpu.memory_space<vmem>> -> memref<64x128xf32, #tpu.memory_space<vmem>>
      %dma_start3A_257 = arith.constant 0 : i32
      %dma_start3A_258 = tpu.memref_slice %arg9[%dma_start3A_250, %dma_start3A_251, %dma_start3A_257] : memref<4x2x64xi32, #tpu.memory_space<vmem>> -> memref<1x1x64xi32, #tpu.memory_space<vmem>>
      %dma_start3A_259 = tpu.memref_squeeze %dma_start3A_258 : memref<1x1x64xi32, #tpu.memory_space<vmem>> -> memref<64xi32, #tpu.memory_space<vmem>>
      %dma_start3A_260 = arith.constant 0 : i32
      %dma_start3A_261 = arith.constant 0 : i32
      %dma_start3A_262 = tpu.memref_slice %arg7[%dma_start3A_260, %dma_start3A_261] : memref<10240x128xf32, #tpu.memory_space<vmem_shared>> -> memref<10240x128xf32, #tpu.memory_space<vmem_shared>>
      %dma_start3A_263 = tpu.memref_slice %arg13[%dma_start3A_252] : memref<4x!tpu.dma_semaphore, #tpu.memory_space<semaphore_mem>> -> memref<1x!tpu.dma_semaphore, #tpu.memory_space<semaphore_mem>>
      %dma_start3A_264 = tpu.memref_squeeze %dma_start3A_263 : memref<1x!tpu.dma_semaphore, #tpu.memory_space<semaphore_mem>> -> memref<!tpu.dma_semaphore, #tpu.memory_space<semaphore_mem>>
      tpu.enqueue_indirect_dma source(%dma_start3A_256 : memref<64x128xf32, #tpu.memory_space<vmem>>) target(%dma_start3A_262 : memref<10240x128xf32, #tpu.memory_space<vmem_shared>>) offsets(%dma_start3A_259 : memref<64xi32, #tpu.memory_space<vmem>>) semaphore(%dma_start3A_264 : memref<!tpu.dma_semaphore, #tpu.memory_space<semaphore_mem>>) {add = true}
      %ge3A_265 = arith.constant 1 : i32
      %ge3A_266 = arith.cmpi sge, %add3A_232, %ge3A_265 : i32
      %convert_element_type3A_267 = arith.extui %ge3A_266 : i1 to i32
      %cond3A_268 = arith.constant 0 : i32
      %cond3A_269 = arith.cmpi ne, %convert_element_type3A_267, %cond3A_268 : i32
      scf.if %cond3A_269 {
        %dma_wait3A_327 = arith.constant 1 : i32
        %dma_wait3A_328 = arith.constant 1 : i32
        %dma_wait3A_329 = arith.constant 1 : i32
        %dma_wait3A_330 = arith.constant 1 : i32
        %dma_wait3A_331 = arith.constant 0 : i32
        %dma_wait3A_332 = arith.constant 0 : i32
        %dma_wait3A_333 = tpu.memref_slice %arg10[%dma_wait3A_327, %dma_wait3A_331, %dma_wait3A_332] : memref<4x64x128xf32, #tpu.memory_space<vmem>> -> memref<1x64x128xf32, #tpu.memory_space<vmem>>
        %dma_wait3A_334 = tpu.memref_squeeze %dma_wait3A_333 : memref<1x64x128xf32, #tpu.memory_space<vmem>> -> memref<64x128xf32, #tpu.memory_space<vmem>>
        %dma_wait3A_335 = arith.constant 0 : i32
        %dma_wait3A_336 = tpu.memref_slice %arg9[%dma_wait3A_328, %dma_wait3A_329, %dma_wait3A_335] : memref<4x2x64xi32, #tpu.memory_space<vmem>> -> memref<1x1x64xi32, #tpu.memory_space<vmem>>
        %dma_wait3A_337 = tpu.memref_squeeze %dma_wait3A_336 : memref<1x1x64xi32, #tpu.memory_space<vmem>> -> memref<64xi32, #tpu.memory_space<vmem>>
        %dma_wait3A_338 = arith.constant 0 : i32
        %dma_wait3A_339 = arith.constant 0 : i32
        %dma_wait3A_340 = tpu.memref_slice %arg7[%dma_wait3A_338, %dma_wait3A_339] : memref<10240x128xf32, #tpu.memory_space<vmem_shared>> -> memref<10240x128xf32, #tpu.memory_space<vmem_shared>>
        %dma_wait3A_341 = tpu.memref_slice %arg13[%dma_wait3A_330] : memref<4x!tpu.dma_semaphore, #tpu.memory_space<semaphore_mem>> -> memref<1x!tpu.dma_semaphore, #tpu.memory_space<semaphore_mem>>
        %dma_wait3A_342 = tpu.memref_squeeze %dma_wait3A_341 : memref<1x!tpu.dma_semaphore, #tpu.memory_space<semaphore_mem>> -> memref<!tpu.dma_semaphore, #tpu.memory_space<semaphore_mem>>
        tpu.wait_indirect_dma semaphore(%dma_wait3A_342 : memref<!tpu.dma_semaphore, #tpu.memory_space<semaphore_mem>>) src(%dma_wait3A_334 : memref<64x128xf32, #tpu.memory_space<vmem>>) dst(%dma_wait3A_340 : memref<10240x128xf32, #tpu.memory_space<vmem_shared>>)
      } else {
      }
      %add3A_270 = arith.constant 4 : i32
      %add3A_271 = arith.addi %add3A_232, %add3A_270 : i32
      %sub3A_272 = arith.constant 1 : i32
      %sub3A_273 = arith.subi %add3A_271, %sub3A_272 : i32
      %lt3A_274 = arith.cmpi slt, %sub3A_273, %select_n3A : i32
      %convert_element_type3A_275 = arith.extui %lt3A_274 : i1 to i32
      %cond3A_276 = arith.constant 0 : i32
      %cond3A_277 = arith.cmpi ne, %convert_element_type3A_275, %cond3A_276 : i32
      scf.if %cond3A_277 {
        %add3A_327 = arith.constant 4 : i32
        %add3A_328 = arith.addi %add3A_232, %add3A_327 : i32
        %sub3A_329 = arith.constant 1 : i32
        %sub3A_330 = arith.subi %add3A_328, %sub3A_329 : i32
        %mul3A_331 = arith.constant 64 : i32
        %mul3A_332 = arith.muli %sub3A_330, %mul3A_331 : i32
        %add3A_333 = arith.addi %select_n3A_26, %mul3A_332 : i32
        %run_scoped3A_334 = arith.constant 1 : i32
        %run_scoped3A_335 = arith.constant 0 : i32
        "tpu.region"() ({
          %run_scoped3A_354 = tpu.sem_alloc : memref<!tpu.dma_semaphore, #tpu.memory_space<semaphore_mem>>
          %dma_start3A_355 = arith.constant 0 : i32
          %dma_start3A_356 = tpu.memref_slice %arg9[%run_scoped3A_334, %run_scoped3A_335, %dma_start3A_355] : memref<4x2x64xi32, #tpu.memory_space<vmem>> -> memref<1x1x64xi32, #tpu.memory_space<vmem>>
          %dma_start3A_357 = tpu.memref_squeeze %dma_start3A_356 : memref<1x1x64xi32, #tpu.memory_space<vmem>> -> memref<64xi32, #tpu.memory_space<vmem>>
          %dma_start3A_358 = tpu.memref_slice %arg4[%add3A_333] : memref<663552xi32, #tpu.memory_space<hbm>> -> memref<64xi32, #tpu.memory_space<hbm>>
          %dma_start3A_359 = arith.constant 0 : i32
          %dma_start3A_360 = tpu.memref_slice %arg9[%run_scoped3A_334, %run_scoped3A_335, %dma_start3A_359] : memref<4x2x64xi32, #tpu.memory_space<vmem>> -> memref<1x1x64xi32, #tpu.memory_space<vmem>>
          %dma_start3A_361 = tpu.memref_squeeze %dma_start3A_360 : memref<1x1x64xi32, #tpu.memory_space<vmem>> -> memref<64xi32, #tpu.memory_space<vmem>>
          %dma_start3A_362 = tpu.memref_slice %arg4[%add3A_333] : memref<663552xi32, #tpu.memory_space<hbm>> -> memref<64xi32, #tpu.memory_space<hbm>>
          tpu.enqueue_dma source(%dma_start3A_362 : memref<64xi32, #tpu.memory_space<hbm>>) target(%dma_start3A_361 : memref<64xi32, #tpu.memory_space<vmem>>) target_semaphore(%run_scoped3A_354 : memref<!tpu.dma_semaphore, #tpu.memory_space<semaphore_mem>>)
          %dma_wait3A_363 = arith.constant 0 : i32
          %dma_wait3A_364 = tpu.memref_slice %arg9[%run_scoped3A_334, %run_scoped3A_335, %dma_wait3A_363] : memref<4x2x64xi32, #tpu.memory_space<vmem>> -> memref<1x1x64xi32, #tpu.memory_space<vmem>>
          %dma_wait3A_365 = tpu.memref_squeeze %dma_wait3A_364 : memref<1x1x64xi32, #tpu.memory_space<vmem>> -> memref<64xi32, #tpu.memory_space<vmem>>
          %dma_wait3A_366 = tpu.memref_slice %arg4[%add3A_333] : memref<663552xi32, #tpu.memory_space<hbm>> -> memref<64xi32, #tpu.memory_space<hbm>>
          %dma_wait3A_367 = arith.constant 0 : i32
          %dma_wait3A_368 = tpu.memref_slice %arg9[%run_scoped3A_334, %run_scoped3A_335, %dma_wait3A_367] : memref<4x2x64xi32, #tpu.memory_space<vmem>> -> memref<1x1x64xi32, #tpu.memory_space<vmem>>
          %dma_wait3A_369 = tpu.memref_squeeze %dma_wait3A_368 : memref<1x1x64xi32, #tpu.memory_space<vmem>> -> memref<64xi32, #tpu.memory_space<vmem>>
          %dma_wait3A_370 = tpu.memref_slice %arg4[%add3A_333] : memref<663552xi32, #tpu.memory_space<hbm>> -> memref<64xi32, #tpu.memory_space<hbm>>
          tpu.wait_dma2 semaphore(%run_scoped3A_354 : memref<!tpu.dma_semaphore, #tpu.memory_space<semaphore_mem>>) src(%dma_wait3A_370 : memref<64xi32, #tpu.memory_space<hbm>>) dst(%dma_wait3A_369 : memref<64xi32, #tpu.memory_space<vmem>>)
          tpu.yield
        }) : () -> ()
        %run_scoped3A_336 = arith.constant 1 : i32
        %run_scoped3A_337 = arith.constant 1 : i32
        "tpu.region"() ({
          %run_scoped3A_354 = tpu.sem_alloc : memref<!tpu.dma_semaphore, #tpu.memory_space<semaphore_mem>>
          %dma_start3A_355 = arith.constant 0 : i32
          %dma_start3A_356 = tpu.memref_slice %arg9[%run_scoped3A_336, %run_scoped3A_337, %dma_start3A_355] : memref<4x2x64xi32, #tpu.memory_space<vmem>> -> memref<1x1x64xi32, #tpu.memory_space<vmem>>
          %dma_start3A_357 = tpu.memref_squeeze %dma_start3A_356 : memref<1x1x64xi32, #tpu.memory_space<vmem>> -> memref<64xi32, #tpu.memory_space<vmem>>
          %dma_start3A_358 = tpu.memref_slice %arg5[%add3A_333] : memref<663552xi32, #tpu.memory_space<hbm>> -> memref<64xi32, #tpu.memory_space<hbm>>
          %dma_start3A_359 = arith.constant 0 : i32
          %dma_start3A_360 = tpu.memref_slice %arg9[%run_scoped3A_336, %run_scoped3A_337, %dma_start3A_359] : memref<4x2x64xi32, #tpu.memory_space<vmem>> -> memref<1x1x64xi32, #tpu.memory_space<vmem>>
          %dma_start3A_361 = tpu.memref_squeeze %dma_start3A_360 : memref<1x1x64xi32, #tpu.memory_space<vmem>> -> memref<64xi32, #tpu.memory_space<vmem>>
          %dma_start3A_362 = tpu.memref_slice %arg5[%add3A_333] : memref<663552xi32, #tpu.memory_space<hbm>> -> memref<64xi32, #tpu.memory_space<hbm>>
          tpu.enqueue_dma source(%dma_start3A_362 : memref<64xi32, #tpu.memory_space<hbm>>) target(%dma_start3A_361 : memref<64xi32, #tpu.memory_space<vmem>>) target_semaphore(%run_scoped3A_354 : memref<!tpu.dma_semaphore, #tpu.memory_space<semaphore_mem>>)
          %dma_wait3A_363 = arith.constant 0 : i32
          %dma_wait3A_364 = tpu.memref_slice %arg9[%run_scoped3A_336, %run_scoped3A_337, %dma_wait3A_363] : memref<4x2x64xi32, #tpu.memory_space<vmem>> -> memref<1x1x64xi32, #tpu.memory_space<vmem>>
          %dma_wait3A_365 = tpu.memref_squeeze %dma_wait3A_364 : memref<1x1x64xi32, #tpu.memory_space<vmem>> -> memref<64xi32, #tpu.memory_space<vmem>>
          %dma_wait3A_366 = tpu.memref_slice %arg5[%add3A_333] : memref<663552xi32, #tpu.memory_space<hbm>> -> memref<64xi32, #tpu.memory_space<hbm>>
          %dma_wait3A_367 = arith.constant 0 : i32
          %dma_wait3A_368 = tpu.memref_slice %arg9[%run_scoped3A_336, %run_scoped3A_337, %dma_wait3A_367] : memref<4x2x64xi32, #tpu.memory_space<vmem>> -> memref<1x1x64xi32, #tpu.memory_space<vmem>>
          %dma_wait3A_369 = tpu.memref_squeeze %dma_wait3A_368 : memref<1x1x64xi32, #tpu.memory_space<vmem>> -> memref<64xi32, #tpu.memory_space<vmem>>
          %dma_wait3A_370 = tpu.memref_slice %arg5[%add3A_333] : memref<663552xi32, #tpu.memory_space<hbm>> -> memref<64xi32, #tpu.memory_space<hbm>>
          tpu.wait_dma2 semaphore(%run_scoped3A_354 : memref<!tpu.dma_semaphore, #tpu.memory_space<semaphore_mem>>) src(%dma_wait3A_370 : memref<64xi32, #tpu.memory_space<hbm>>) dst(%dma_wait3A_369 : memref<64xi32, #tpu.memory_space<vmem>>)
          tpu.yield
        }) : () -> ()
        %dma_start3A_338 = arith.constant 1 : i32
        %dma_start3A_339 = arith.constant 0 : i32
        %dma_start3A_340 = arith.constant 1 : i32
        %dma_start3A_341 = arith.constant 1 : i32
        %dma_start3A_342 = arith.constant 0 : i32
        %dma_start3A_343 = arith.constant 0 : i32
        %dma_start3A_344 = tpu.memref_slice %arg10[%dma_start3A_340, %dma_start3A_342, %dma_start3A_343] : memref<4x64x128xf32, #tpu.memory_space<vmem>> -> memref<1x64x128xf32, #tpu.memory_space<vmem>>
        %dma_start3A_345 = tpu.memref_squeeze %dma_start3A_344 : memref<1x64x128xf32, #tpu.memory_space<vmem>> -> memref<64x128xf32, #tpu.memory_space<vmem>>
        %dma_start3A_346 = arith.constant 0 : i32
        %dma_start3A_347 = tpu.memref_slice %arg9[%dma_start3A_338, %dma_start3A_339, %dma_start3A_346] : memref<4x2x64xi32, #tpu.memory_space<vmem>> -> memref<1x1x64xi32, #tpu.memory_space<vmem>>
        %dma_start3A_348 = tpu.memref_squeeze %dma_start3A_347 : memref<1x1x64xi32, #tpu.memory_space<vmem>> -> memref<64xi32, #tpu.memory_space<vmem>>
        %dma_start3A_349 = arith.constant 0 : i32
        %dma_start3A_350 = arith.constant 0 : i32
        %dma_start3A_351 = tpu.memref_slice %arg8[%dma_start3A_349, %dma_start3A_350] : memref<1024x128xf32, #tpu.memory_space<vmem_shared>> -> memref<1024x128xf32, #tpu.memory_space<vmem_shared>>
        %dma_start3A_352 = tpu.memref_slice %arg12[%dma_start3A_341] : memref<4x!tpu.dma_semaphore, #tpu.memory_space<semaphore_mem>> -> memref<1x!tpu.dma_semaphore, #tpu.memory_space<semaphore_mem>>
        %dma_start3A_353 = tpu.memref_squeeze %dma_start3A_352 : memref<1x!tpu.dma_semaphore, #tpu.memory_space<semaphore_mem>> -> memref<!tpu.dma_semaphore, #tpu.memory_space<semaphore_mem>>
        tpu.enqueue_indirect_dma source(%dma_start3A_351 : memref<1024x128xf32, #tpu.memory_space<vmem_shared>>) target(%dma_start3A_345 : memref<64x128xf32, #tpu.memory_space<vmem>>) offsets(%dma_start3A_348 : memref<64xi32, #tpu.memory_space<vmem>>) semaphore(%dma_start3A_353 : memref<!tpu.dma_semaphore, #tpu.memory_space<semaphore_mem>>)
      } else {
      }
      %mul3A_278 = arith.constant 4 : i32
      %mul3A_279 = arith.muli %mul3A_278, %while3A_134 : i32
      %add3A_280 = arith.constant 3 : i32
      %add3A_281 = arith.addi %mul3A_279, %add3A_280 : i32
      %dma_wait3A_282 = arith.constant 3 : i32
      %dma_wait3A_283 = arith.constant 0 : i32
      %dma_wait3A_284 = arith.constant 3 : i32
      %dma_wait3A_285 = arith.constant 3 : i32
      %dma_wait3A_286 = arith.constant 0 : i32
      %dma_wait3A_287 = arith.constant 0 : i32
      %dma_wait3A_288 = tpu.memref_slice %arg10[%dma_wait3A_284, %dma_wait3A_286, %dma_wait3A_287] : memref<4x64x128xf32, #tpu.memory_space<vmem>> -> memref<1x64x128xf32, #tpu.memory_space<vmem>>
      %dma_wait3A_289 = tpu.memref_squeeze %dma_wait3A_288 : memref<1x64x128xf32, #tpu.memory_space<vmem>> -> memref<64x128xf32, #tpu.memory_space<vmem>>
      %dma_wait3A_290 = arith.constant 0 : i32
      %dma_wait3A_291 = tpu.memref_slice %arg9[%dma_wait3A_282, %dma_wait3A_283, %dma_wait3A_290] : memref<4x2x64xi32, #tpu.memory_space<vmem>> -> memref<1x1x64xi32, #tpu.memory_space<vmem>>
      %dma_wait3A_292 = tpu.memref_squeeze %dma_wait3A_291 : memref<1x1x64xi32, #tpu.memory_space<vmem>> -> memref<64xi32, #tpu.memory_space<vmem>>
      %dma_wait3A_293 = arith.constant 0 : i32
      %dma_wait3A_294 = arith.constant 0 : i32
      %dma_wait3A_295 = tpu.memref_slice %arg8[%dma_wait3A_293, %dma_wait3A_294] : memref<1024x128xf32, #tpu.memory_space<vmem_shared>> -> memref<1024x128xf32, #tpu.memory_space<vmem_shared>>
      %dma_wait3A_296 = tpu.memref_slice %arg12[%dma_wait3A_285] : memref<4x!tpu.dma_semaphore, #tpu.memory_space<semaphore_mem>> -> memref<1x!tpu.dma_semaphore, #tpu.memory_space<semaphore_mem>>
      %dma_wait3A_297 = tpu.memref_squeeze %dma_wait3A_296 : memref<1x!tpu.dma_semaphore, #tpu.memory_space<semaphore_mem>> -> memref<!tpu.dma_semaphore, #tpu.memory_space<semaphore_mem>>
      tpu.wait_indirect_dma semaphore(%dma_wait3A_297 : memref<!tpu.dma_semaphore, #tpu.memory_space<semaphore_mem>>) src(%dma_wait3A_295 : memref<1024x128xf32, #tpu.memory_space<vmem_shared>>) dst(%dma_wait3A_289 : memref<64x128xf32, #tpu.memory_space<vmem>>)
      %dma_start3A_298 = arith.constant 3 : i32
      %dma_start3A_299 = arith.constant 3 : i32
      %dma_start3A_300 = arith.constant 1 : i32
      %dma_start3A_301 = arith.constant 3 : i32
      %dma_start3A_302 = arith.constant 0 : i32
      %dma_start3A_303 = arith.constant 0 : i32
      %dma_start3A_304 = tpu.memref_slice %arg10[%dma_start3A_298, %dma_start3A_302, %dma_start3A_303] : memref<4x64x128xf32, #tpu.memory_space<vmem>> -> memref<1x64x128xf32, #tpu.memory_space<vmem>>
      %dma_start3A_305 = tpu.memref_squeeze %dma_start3A_304 : memref<1x64x128xf32, #tpu.memory_space<vmem>> -> memref<64x128xf32, #tpu.memory_space<vmem>>
      %dma_start3A_306 = arith.constant 0 : i32
      %dma_start3A_307 = tpu.memref_slice %arg9[%dma_start3A_299, %dma_start3A_300, %dma_start3A_306] : memref<4x2x64xi32, #tpu.memory_space<vmem>> -> memref<1x1x64xi32, #tpu.memory_space<vmem>>
      %dma_start3A_308 = tpu.memref_squeeze %dma_start3A_307 : memref<1x1x64xi32, #tpu.memory_space<vmem>> -> memref<64xi32, #tpu.memory_space<vmem>>
      %dma_start3A_309 = arith.constant 0 : i32
      %dma_start3A_310 = arith.constant 0 : i32
      %dma_start3A_311 = tpu.memref_slice %arg7[%dma_start3A_309, %dma_start3A_310] : memref<10240x128xf32, #tpu.memory_space<vmem_shared>> -> memref<10240x128xf32, #tpu.memory_space<vmem_shared>>
      %dma_start3A_312 = tpu.memref_slice %arg13[%dma_start3A_301] : memref<4x!tpu.dma_semaphore, #tpu.memory_space<semaphore_mem>> -> memref<1x!tpu.dma_semaphore, #tpu.memory_space<semaphore_mem>>
      %dma_start3A_313 = tpu.memref_squeeze %dma_start3A_312 : memref<1x!tpu.dma_semaphore, #tpu.memory_space<semaphore_mem>> -> memref<!tpu.dma_semaphore, #tpu.memory_space<semaphore_mem>>
      tpu.enqueue_indirect_dma source(%dma_start3A_305 : memref<64x128xf32, #tpu.memory_space<vmem>>) target(%dma_start3A_311 : memref<10240x128xf32, #tpu.memory_space<vmem_shared>>) offsets(%dma_start3A_308 : memref<64xi32, #tpu.memory_space<vmem>>) semaphore(%dma_start3A_313 : memref<!tpu.dma_semaphore, #tpu.memory_space<semaphore_mem>>) {add = true}
      %ge3A_314 = arith.constant 1 : i32
      %ge3A_315 = arith.cmpi sge, %add3A_281, %ge3A_314 : i32
      %convert_element_type3A_316 = arith.extui %ge3A_315 : i1 to i32
      %cond3A_317 = arith.constant 0 : i32
      %cond3A_318 = arith.cmpi ne, %convert_element_type3A_316, %cond3A_317 : i32
      scf.if %cond3A_318 {
        %dma_wait3A_327 = arith.constant 2 : i32
        %dma_wait3A_328 = arith.constant 2 : i32
        %dma_wait3A_329 = arith.constant 1 : i32
        %dma_wait3A_330 = arith.constant 2 : i32
        %dma_wait3A_331 = arith.constant 0 : i32
        %dma_wait3A_332 = arith.constant 0 : i32
        %dma_wait3A_333 = tpu.memref_slice %arg10[%dma_wait3A_327, %dma_wait3A_331, %dma_wait3A_332] : memref<4x64x128xf32, #tpu.memory_space<vmem>> -> memref<1x64x128xf32, #tpu.memory_space<vmem>>
        %dma_wait3A_334 = tpu.memref_squeeze %dma_wait3A_333 : memref<1x64x128xf32, #tpu.memory_space<vmem>> -> memref<64x128xf32, #tpu.memory_space<vmem>>
        %dma_wait3A_335 = arith.constant 0 : i32
        %dma_wait3A_336 = tpu.memref_slice %arg9[%dma_wait3A_328, %dma_wait3A_329, %dma_wait3A_335] : memref<4x2x64xi32, #tpu.memory_space<vmem>> -> memref<1x1x64xi32, #tpu.memory_space<vmem>>
        %dma_wait3A_337 = tpu.memref_squeeze %dma_wait3A_336 : memref<1x1x64xi32, #tpu.memory_space<vmem>> -> memref<64xi32, #tpu.memory_space<vmem>>
        %dma_wait3A_338 = arith.constant 0 : i32
        %dma_wait3A_339 = arith.constant 0 : i32
        %dma_wait3A_340 = tpu.memref_slice %arg7[%dma_wait3A_338, %dma_wait3A_339] : memref<10240x128xf32, #tpu.memory_space<vmem_shared>> -> memref<10240x128xf32, #tpu.memory_space<vmem_shared>>
        %dma_wait3A_341 = tpu.memref_slice %arg13[%dma_wait3A_330] : memref<4x!tpu.dma_semaphore, #tpu.memory_space<semaphore_mem>> -> memref<1x!tpu.dma_semaphore, #tpu.memory_space<semaphore_mem>>
        %dma_wait3A_342 = tpu.memref_squeeze %dma_wait3A_341 : memref<1x!tpu.dma_semaphore, #tpu.memory_space<semaphore_mem>> -> memref<!tpu.dma_semaphore, #tpu.memory_space<semaphore_mem>>
        tpu.wait_indirect_dma semaphore(%dma_wait3A_342 : memref<!tpu.dma_semaphore, #tpu.memory_space<semaphore_mem>>) src(%dma_wait3A_334 : memref<64x128xf32, #tpu.memory_space<vmem>>) dst(%dma_wait3A_340 : memref<10240x128xf32, #tpu.memory_space<vmem_shared>>)
      } else {
      }
      %add3A_319 = arith.constant 4 : i32
      %add3A_320 = arith.addi %add3A_281, %add3A_319 : i32
      %sub3A_321 = arith.constant 1 : i32
      %sub3A_322 = arith.subi %add3A_320, %sub3A_321 : i32
      %lt3A_323 = arith.cmpi slt, %sub3A_322, %select_n3A : i32
      %convert_element_type3A_324 = arith.extui %lt3A_323 : i1 to i32
      %cond3A_325 = arith.constant 0 : i32
      %cond3A_326 = arith.cmpi ne, %convert_element_type3A_324, %cond3A_325 : i32
      scf.if %cond3A_326 {
        %add3A_327 = arith.constant 4 : i32
        %add3A_328 = arith.addi %add3A_281, %add3A_327 : i32
        %sub3A_329 = arith.constant 1 : i32
        %sub3A_330 = arith.subi %add3A_328, %sub3A_329 : i32
        %mul3A_331 = arith.constant 64 : i32
        %mul3A_332 = arith.muli %sub3A_330, %mul3A_331 : i32
        %add3A_333 = arith.addi %select_n3A_26, %mul3A_332 : i32
        %run_scoped3A_334 = arith.constant 2 : i32
        %run_scoped3A_335 = arith.constant 0 : i32
        "tpu.region"() ({
          %run_scoped3A_354 = tpu.sem_alloc : memref<!tpu.dma_semaphore, #tpu.memory_space<semaphore_mem>>
          %dma_start3A_355 = arith.constant 0 : i32
          %dma_start3A_356 = tpu.memref_slice %arg9[%run_scoped3A_334, %run_scoped3A_335, %dma_start3A_355] : memref<4x2x64xi32, #tpu.memory_space<vmem>> -> memref<1x1x64xi32, #tpu.memory_space<vmem>>
          %dma_start3A_357 = tpu.memref_squeeze %dma_start3A_356 : memref<1x1x64xi32, #tpu.memory_space<vmem>> -> memref<64xi32, #tpu.memory_space<vmem>>
          %dma_start3A_358 = tpu.memref_slice %arg4[%add3A_333] : memref<663552xi32, #tpu.memory_space<hbm>> -> memref<64xi32, #tpu.memory_space<hbm>>
          %dma_start3A_359 = arith.constant 0 : i32
          %dma_start3A_360 = tpu.memref_slice %arg9[%run_scoped3A_334, %run_scoped3A_335, %dma_start3A_359] : memref<4x2x64xi32, #tpu.memory_space<vmem>> -> memref<1x1x64xi32, #tpu.memory_space<vmem>>
          %dma_start3A_361 = tpu.memref_squeeze %dma_start3A_360 : memref<1x1x64xi32, #tpu.memory_space<vmem>> -> memref<64xi32, #tpu.memory_space<vmem>>
          %dma_start3A_362 = tpu.memref_slice %arg4[%add3A_333] : memref<663552xi32, #tpu.memory_space<hbm>> -> memref<64xi32, #tpu.memory_space<hbm>>
          tpu.enqueue_dma source(%dma_start3A_362 : memref<64xi32, #tpu.memory_space<hbm>>) target(%dma_start3A_361 : memref<64xi32, #tpu.memory_space<vmem>>) target_semaphore(%run_scoped3A_354 : memref<!tpu.dma_semaphore, #tpu.memory_space<semaphore_mem>>)
          %dma_wait3A_363 = arith.constant 0 : i32
          %dma_wait3A_364 = tpu.memref_slice %arg9[%run_scoped3A_334, %run_scoped3A_335, %dma_wait3A_363] : memref<4x2x64xi32, #tpu.memory_space<vmem>> -> memref<1x1x64xi32, #tpu.memory_space<vmem>>
          %dma_wait3A_365 = tpu.memref_squeeze %dma_wait3A_364 : memref<1x1x64xi32, #tpu.memory_space<vmem>> -> memref<64xi32, #tpu.memory_space<vmem>>
          %dma_wait3A_366 = tpu.memref_slice %arg4[%add3A_333] : memref<663552xi32, #tpu.memory_space<hbm>> -> memref<64xi32, #tpu.memory_space<hbm>>
          %dma_wait3A_367 = arith.constant 0 : i32
          %dma_wait3A_368 = tpu.memref_slice %arg9[%run_scoped3A_334, %run_scoped3A_335, %dma_wait3A_367] : memref<4x2x64xi32, #tpu.memory_space<vmem>> -> memref<1x1x64xi32, #tpu.memory_space<vmem>>
          %dma_wait3A_369 = tpu.memref_squeeze %dma_wait3A_368 : memref<1x1x64xi32, #tpu.memory_space<vmem>> -> memref<64xi32, #tpu.memory_space<vmem>>
          %dma_wait3A_370 = tpu.memref_slice %arg4[%add3A_333] : memref<663552xi32, #tpu.memory_space<hbm>> -> memref<64xi32, #tpu.memory_space<hbm>>
          tpu.wait_dma2 semaphore(%run_scoped3A_354 : memref<!tpu.dma_semaphore, #tpu.memory_space<semaphore_mem>>) src(%dma_wait3A_370 : memref<64xi32, #tpu.memory_space<hbm>>) dst(%dma_wait3A_369 : memref<64xi32, #tpu.memory_space<vmem>>)
          tpu.yield
        }) : () -> ()
        %run_scoped3A_336 = arith.constant 2 : i32
        %run_scoped3A_337 = arith.constant 1 : i32
        "tpu.region"() ({
          %run_scoped3A_354 = tpu.sem_alloc : memref<!tpu.dma_semaphore, #tpu.memory_space<semaphore_mem>>
          %dma_start3A_355 = arith.constant 0 : i32
          %dma_start3A_356 = tpu.memref_slice %arg9[%run_scoped3A_336, %run_scoped3A_337, %dma_start3A_355] : memref<4x2x64xi32, #tpu.memory_space<vmem>> -> memref<1x1x64xi32, #tpu.memory_space<vmem>>
          %dma_start3A_357 = tpu.memref_squeeze %dma_start3A_356 : memref<1x1x64xi32, #tpu.memory_space<vmem>> -> memref<64xi32, #tpu.memory_space<vmem>>
          %dma_start3A_358 = tpu.memref_slice %arg5[%add3A_333] : memref<663552xi32, #tpu.memory_space<hbm>> -> memref<64xi32, #tpu.memory_space<hbm>>
          %dma_start3A_359 = arith.constant 0 : i32
          %dma_start3A_360 = tpu.memref_slice %arg9[%run_scoped3A_336, %run_scoped3A_337, %dma_start3A_359] : memref<4x2x64xi32, #tpu.memory_space<vmem>> -> memref<1x1x64xi32, #tpu.memory_space<vmem>>
          %dma_start3A_361 = tpu.memref_squeeze %dma_start3A_360 : memref<1x1x64xi32, #tpu.memory_space<vmem>> -> memref<64xi32, #tpu.memory_space<vmem>>
          %dma_start3A_362 = tpu.memref_slice %arg5[%add3A_333] : memref<663552xi32, #tpu.memory_space<hbm>> -> memref<64xi32, #tpu.memory_space<hbm>>
          tpu.enqueue_dma source(%dma_start3A_362 : memref<64xi32, #tpu.memory_space<hbm>>) target(%dma_start3A_361 : memref<64xi32, #tpu.memory_space<vmem>>) target_semaphore(%run_scoped3A_354 : memref<!tpu.dma_semaphore, #tpu.memory_space<semaphore_mem>>)
          %dma_wait3A_363 = arith.constant 0 : i32
          %dma_wait3A_364 = tpu.memref_slice %arg9[%run_scoped3A_336, %run_scoped3A_337, %dma_wait3A_363] : memref<4x2x64xi32, #tpu.memory_space<vmem>> -> memref<1x1x64xi32, #tpu.memory_space<vmem>>
          %dma_wait3A_365 = tpu.memref_squeeze %dma_wait3A_364 : memref<1x1x64xi32, #tpu.memory_space<vmem>> -> memref<64xi32, #tpu.memory_space<vmem>>
          %dma_wait3A_366 = tpu.memref_slice %arg5[%add3A_333] : memref<663552xi32, #tpu.memory_space<hbm>> -> memref<64xi32, #tpu.memory_space<hbm>>
          %dma_wait3A_367 = arith.constant 0 : i32
          %dma_wait3A_368 = tpu.memref_slice %arg9[%run_scoped3A_336, %run_scoped3A_337, %dma_wait3A_367] : memref<4x2x64xi32, #tpu.memory_space<vmem>> -> memref<1x1x64xi32, #tpu.memory_space<vmem>>
          %dma_wait3A_369 = tpu.memref_squeeze %dma_wait3A_368 : memref<1x1x64xi32, #tpu.memory_space<vmem>> -> memref<64xi32, #tpu.memory_space<vmem>>
          %dma_wait3A_370 = tpu.memref_slice %arg5[%add3A_333] : memref<663552xi32, #tpu.memory_space<hbm>> -> memref<64xi32, #tpu.memory_space<hbm>>
          tpu.wait_dma2 semaphore(%run_scoped3A_354 : memref<!tpu.dma_semaphore, #tpu.memory_space<semaphore_mem>>) src(%dma_wait3A_370 : memref<64xi32, #tpu.memory_space<hbm>>) dst(%dma_wait3A_369 : memref<64xi32, #tpu.memory_space<vmem>>)
          tpu.yield
        }) : () -> ()
        %dma_start3A_338 = arith.constant 2 : i32
        %dma_start3A_339 = arith.constant 0 : i32
        %dma_start3A_340 = arith.constant 2 : i32
        %dma_start3A_341 = arith.constant 2 : i32
        %dma_start3A_342 = arith.constant 0 : i32
        %dma_start3A_343 = arith.constant 0 : i32
        %dma_start3A_344 = tpu.memref_slice %arg10[%dma_start3A_340, %dma_start3A_342, %dma_start3A_343] : memref<4x64x128xf32, #tpu.memory_space<vmem>> -> memref<1x64x128xf32, #tpu.memory_space<vmem>>
        %dma_start3A_345 = tpu.memref_squeeze %dma_start3A_344 : memref<1x64x128xf32, #tpu.memory_space<vmem>> -> memref<64x128xf32, #tpu.memory_space<vmem>>
        %dma_start3A_346 = arith.constant 0 : i32
        %dma_start3A_347 = tpu.memref_slice %arg9[%dma_start3A_338, %dma_start3A_339, %dma_start3A_346] : memref<4x2x64xi32, #tpu.memory_space<vmem>> -> memref<1x1x64xi32, #tpu.memory_space<vmem>>
        %dma_start3A_348 = tpu.memref_squeeze %dma_start3A_347 : memref<1x1x64xi32, #tpu.memory_space<vmem>> -> memref<64xi32, #tpu.memory_space<vmem>>
        %dma_start3A_349 = arith.constant 0 : i32
        %dma_start3A_350 = arith.constant 0 : i32
        %dma_start3A_351 = tpu.memref_slice %arg2[%dma_start3A_349, %dma_start3A_350] : memref<10000x128xf32, #tpu.memory_space<hbm>> -> memref<10000x128xf32, #tpu.memory_space<hbm>>
        %dma_start3A_352 = tpu.memref_slice %arg12[%dma_start3A_341] : memref<4x!tpu.dma_semaphore, #tpu.memory_space<semaphore_mem>> -> memref<1x!tpu.dma_semaphore, #tpu.memory_space<semaphore_mem>>
        %dma_start3A_353 = tpu.memref_squeeze %dma_start3A_352 : memref<1x!tpu.dma_semaphore, #tpu.memory_space<semaphore_mem>> -> memref<!tpu.dma_semaphore, #tpu.memory_space<semaphore_mem>>
        tpu.enqueue_indirect_dma source(%dma_start3A_351 : memref<10000x128xf32, #tpu.memory_space<hbm>>) target(%dma_start3A_345 : memref<64x128xf32, #tpu.memory_space<vmem>>) offsets(%dma_start3A_348 : memref<64xi32, #tpu.memory_space<vmem>>) semaphore(%dma_start3A_353 : memref<!tpu.dma_semaphore, #tpu.memory_space<semaphore_mem>>)
      } else {
      }
    }
    %while3A_117 = arith.constant 1 : i32
    scf.for %while3A_134 = %while3A_115 to %while3A_111 step %while3A_117  : i32 {
      %mul3A_135 = arith.constant 4 : i32
      %mul3A_136 = arith.muli %mul3A_135, %while3A_134 : i32
      %add3A_137 = arith.constant 0 : i32
      %add3A_138 = arith.addi %mul3A_136, %add3A_137 : i32
      %dma_wait3A_139 = arith.constant 0 : i32
      %dma_wait3A_140 = arith.constant 0 : i32
      %dma_wait3A_141 = arith.constant 0 : i32
      %dma_wait3A_142 = arith.constant 0 : i32
      %dma_wait3A_143 = arith.constant 0 : i32
      %dma_wait3A_144 = arith.constant 0 : i32
      %dma_wait3A_145 = tpu.memref_slice %arg10[%dma_wait3A_141, %dma_wait3A_143, %dma_wait3A_144] : memref<4x64x128xf32, #tpu.memory_space<vmem>> -> memref<1x64x128xf32, #tpu.memory_space<vmem>>
      %dma_wait3A_146 = tpu.memref_squeeze %dma_wait3A_145 : memref<1x64x128xf32, #tpu.memory_space<vmem>> -> memref<64x128xf32, #tpu.memory_space<vmem>>
      %dma_wait3A_147 = arith.constant 0 : i32
      %dma_wait3A_148 = tpu.memref_slice %arg9[%dma_wait3A_139, %dma_wait3A_140, %dma_wait3A_147] : memref<4x2x64xi32, #tpu.memory_space<vmem>> -> memref<1x1x64xi32, #tpu.memory_space<vmem>>
      %dma_wait3A_149 = tpu.memref_squeeze %dma_wait3A_148 : memref<1x1x64xi32, #tpu.memory_space<vmem>> -> memref<64xi32, #tpu.memory_space<vmem>>
      %dma_wait3A_150 = arith.constant 0 : i32
      %dma_wait3A_151 = arith.constant 0 : i32
      %dma_wait3A_152 = tpu.memref_slice %arg2[%dma_wait3A_150, %dma_wait3A_151] : memref<10000x128xf32, #tpu.memory_space<hbm>> -> memref<10000x128xf32, #tpu.memory_space<hbm>>
      %dma_wait3A_153 = tpu.memref_slice %arg12[%dma_wait3A_142] : memref<4x!tpu.dma_semaphore, #tpu.memory_space<semaphore_mem>> -> memref<1x!tpu.dma_semaphore, #tpu.memory_space<semaphore_mem>>
      %dma_wait3A_154 = tpu.memref_squeeze %dma_wait3A_153 : memref<1x!tpu.dma_semaphore, #tpu.memory_space<semaphore_mem>> -> memref<!tpu.dma_semaphore, #tpu.memory_space<semaphore_mem>>
      tpu.wait_indirect_dma semaphore(%dma_wait3A_154 : memref<!tpu.dma_semaphore, #tpu.memory_space<semaphore_mem>>) src(%dma_wait3A_152 : memref<10000x128xf32, #tpu.memory_space<hbm>>) dst(%dma_wait3A_146 : memref<64x128xf32, #tpu.memory_space<vmem>>)
      %dma_start3A_155 = arith.constant 0 : i32
      %dma_start3A_156 = arith.constant 0 : i32
      %dma_start3A_157 = arith.constant 1 : i32
      %dma_start3A_158 = arith.constant 0 : i32
      %dma_start3A_159 = arith.constant 0 : i32
      %dma_start3A_160 = arith.constant 0 : i32
      %dma_start3A_161 = tpu.memref_slice %arg10[%dma_start3A_155, %dma_start3A_159, %dma_start3A_160] : memref<4x64x128xf32, #tpu.memory_space<vmem>> -> memref<1x64x128xf32, #tpu.memory_space<vmem>>
      %dma_start3A_162 = tpu.memref_squeeze %dma_start3A_161 : memref<1x64x128xf32, #tpu.memory_space<vmem>> -> memref<64x128xf32, #tpu.memory_space<vmem>>
      %dma_start3A_163 = arith.constant 0 : i32
      %dma_start3A_164 = tpu.memref_slice %arg9[%dma_start3A_156, %dma_start3A_157, %dma_start3A_163] : memref<4x2x64xi32, #tpu.memory_space<vmem>> -> memref<1x1x64xi32, #tpu.memory_space<vmem>>
      %dma_start3A_165 = tpu.memref_squeeze %dma_start3A_164 : memref<1x1x64xi32, #tpu.memory_space<vmem>> -> memref<64xi32, #tpu.memory_space<vmem>>
      %dma_start3A_166 = arith.constant 0 : i32
      %dma_start3A_167 = arith.constant 0 : i32
      %dma_start3A_168 = tpu.memref_slice %arg7[%dma_start3A_166, %dma_start3A_167] : memref<10240x128xf32, #tpu.memory_space<vmem_shared>> -> memref<10240x128xf32, #tpu.memory_space<vmem_shared>>
      %dma_start3A_169 = tpu.memref_slice %arg13[%dma_start3A_158] : memref<4x!tpu.dma_semaphore, #tpu.memory_space<semaphore_mem>> -> memref<1x!tpu.dma_semaphore, #tpu.memory_space<semaphore_mem>>
      %dma_start3A_170 = tpu.memref_squeeze %dma_start3A_169 : memref<1x!tpu.dma_semaphore, #tpu.memory_space<semaphore_mem>> -> memref<!tpu.dma_semaphore, #tpu.memory_space<semaphore_mem>>
      tpu.enqueue_indirect_dma source(%dma_start3A_162 : memref<64x128xf32, #tpu.memory_space<vmem>>) target(%dma_start3A_168 : memref<10240x128xf32, #tpu.memory_space<vmem_shared>>) offsets(%dma_start3A_165 : memref<64xi32, #tpu.memory_space<vmem>>) semaphore(%dma_start3A_170 : memref<!tpu.dma_semaphore, #tpu.memory_space<semaphore_mem>>) {add = true}
      %ge3A = arith.constant 1 : i32
      %ge3A_171 = arith.cmpi sge, %add3A_138, %ge3A : i32
      %convert_element_type3A = arith.extui %ge3A_171 : i1 to i32
      %cond3A = arith.constant 0 : i32
      %cond3A_172 = arith.cmpi ne, %convert_element_type3A, %cond3A : i32
      scf.if %cond3A_172 {
        %dma_wait3A_327 = arith.constant 3 : i32
        %dma_wait3A_328 = arith.constant 3 : i32
        %dma_wait3A_329 = arith.constant 1 : i32
        %dma_wait3A_330 = arith.constant 3 : i32
        %dma_wait3A_331 = arith.constant 0 : i32
        %dma_wait3A_332 = arith.constant 0 : i32
        %dma_wait3A_333 = tpu.memref_slice %arg10[%dma_wait3A_327, %dma_wait3A_331, %dma_wait3A_332] : memref<4x64x128xf32, #tpu.memory_space<vmem>> -> memref<1x64x128xf32, #tpu.memory_space<vmem>>
        %dma_wait3A_334 = tpu.memref_squeeze %dma_wait3A_333 : memref<1x64x128xf32, #tpu.memory_space<vmem>> -> memref<64x128xf32, #tpu.memory_space<vmem>>
        %dma_wait3A_335 = arith.constant 0 : i32
        %dma_wait3A_336 = tpu.memref_slice %arg9[%dma_wait3A_328, %dma_wait3A_329, %dma_wait3A_335] : memref<4x2x64xi32, #tpu.memory_space<vmem>> -> memref<1x1x64xi32, #tpu.memory_space<vmem>>
        %dma_wait3A_337 = tpu.memref_squeeze %dma_wait3A_336 : memref<1x1x64xi32, #tpu.memory_space<vmem>> -> memref<64xi32, #tpu.memory_space<vmem>>
        %dma_wait3A_338 = arith.constant 0 : i32
        %dma_wait3A_339 = arith.constant 0 : i32
        %dma_wait3A_340 = tpu.memref_slice %arg7[%dma_wait3A_338, %dma_wait3A_339] : memref<10240x128xf32, #tpu.memory_space<vmem_shared>> -> memref<10240x128xf32, #tpu.memory_space<vmem_shared>>
        %dma_wait3A_341 = tpu.memref_slice %arg13[%dma_wait3A_330] : memref<4x!tpu.dma_semaphore, #tpu.memory_space<semaphore_mem>> -> memref<1x!tpu.dma_semaphore, #tpu.memory_space<semaphore_mem>>
        %dma_wait3A_342 = tpu.memref_squeeze %dma_wait3A_341 : memref<1x!tpu.dma_semaphore, #tpu.memory_space<semaphore_mem>> -> memref<!tpu.dma_semaphore, #tpu.memory_space<semaphore_mem>>
        tpu.wait_indirect_dma semaphore(%dma_wait3A_342 : memref<!tpu.dma_semaphore, #tpu.memory_space<semaphore_mem>>) src(%dma_wait3A_334 : memref<64x128xf32, #tpu.memory_space<vmem>>) dst(%dma_wait3A_340 : memref<10240x128xf32, #tpu.memory_space<vmem_shared>>)
      } else {
      }
      %add3A_173 = arith.constant 4 : i32
      %add3A_174 = arith.addi %add3A_138, %add3A_173 : i32
      %sub3A_175 = arith.constant 1 : i32
      %sub3A_176 = arith.subi %add3A_174, %sub3A_175 : i32
      %lt3A = arith.cmpi slt, %sub3A_176, %select_n3A : i32
      %convert_element_type3A_177 = arith.extui %lt3A : i1 to i32
      %cond3A_178 = arith.constant 0 : i32
      %cond3A_179 = arith.cmpi ne, %convert_element_type3A_177, %cond3A_178 : i32
      scf.if %cond3A_179 {
        %add3A_327 = arith.constant 4 : i32
        %add3A_328 = arith.addi %add3A_138, %add3A_327 : i32
        %sub3A_329 = arith.constant 1 : i32
        %sub3A_330 = arith.subi %add3A_328, %sub3A_329 : i32
        %mul3A_331 = arith.constant 64 : i32
        %mul3A_332 = arith.muli %sub3A_330, %mul3A_331 : i32
        %add3A_333 = arith.addi %select_n3A_26, %mul3A_332 : i32
        %run_scoped3A_334 = arith.constant 3 : i32
        %run_scoped3A_335 = arith.constant 0 : i32
        "tpu.region"() ({
          %run_scoped3A_354 = tpu.sem_alloc : memref<!tpu.dma_semaphore, #tpu.memory_space<semaphore_mem>>
          %dma_start3A_355 = arith.constant 0 : i32
          %dma_start3A_356 = tpu.memref_slice %arg9[%run_scoped3A_334, %run_scoped3A_335, %dma_start3A_355] : memref<4x2x64xi32, #tpu.memory_space<vmem>> -> memref<1x1x64xi32, #tpu.memory_space<vmem>>
          %dma_start3A_357 = tpu.memref_squeeze %dma_start3A_356 : memref<1x1x64xi32, #tpu.memory_space<vmem>> -> memref<64xi32, #tpu.memory_space<vmem>>
          %dma_start3A_358 = tpu.memref_slice %arg4[%add3A_333] : memref<663552xi32, #tpu.memory_space<hbm>> -> memref<64xi32, #tpu.memory_space<hbm>>
          %dma_start3A_359 = arith.constant 0 : i32
          %dma_start3A_360 = tpu.memref_slice %arg9[%run_scoped3A_334, %run_scoped3A_335, %dma_start3A_359] : memref<4x2x64xi32, #tpu.memory_space<vmem>> -> memref<1x1x64xi32, #tpu.memory_space<vmem>>
          %dma_start3A_361 = tpu.memref_squeeze %dma_start3A_360 : memref<1x1x64xi32, #tpu.memory_space<vmem>> -> memref<64xi32, #tpu.memory_space<vmem>>
          %dma_start3A_362 = tpu.memref_slice %arg4[%add3A_333] : memref<663552xi32, #tpu.memory_space<hbm>> -> memref<64xi32, #tpu.memory_space<hbm>>
          tpu.enqueue_dma source(%dma_start3A_362 : memref<64xi32, #tpu.memory_space<hbm>>) target(%dma_start3A_361 : memref<64xi32, #tpu.memory_space<vmem>>) target_semaphore(%run_scoped3A_354 : memref<!tpu.dma_semaphore, #tpu.memory_space<semaphore_mem>>)
          %dma_wait3A_363 = arith.constant 0 : i32
          %dma_wait3A_364 = tpu.memref_slice %arg9[%run_scoped3A_334, %run_scoped3A_335, %dma_wait3A_363] : memref<4x2x64xi32, #tpu.memory_space<vmem>> -> memref<1x1x64xi32, #tpu.memory_space<vmem>>
          %dma_wait3A_365 = tpu.memref_squeeze %dma_wait3A_364 : memref<1x1x64xi32, #tpu.memory_space<vmem>> -> memref<64xi32, #tpu.memory_space<vmem>>
          %dma_wait3A_366 = tpu.memref_slice %arg4[%add3A_333] : memref<663552xi32, #tpu.memory_space<hbm>> -> memref<64xi32, #tpu.memory_space<hbm>>
          %dma_wait3A_367 = arith.constant 0 : i32
          %dma_wait3A_368 = tpu.memref_slice %arg9[%run_scoped3A_334, %run_scoped3A_335, %dma_wait3A_367] : memref<4x2x64xi32, #tpu.memory_space<vmem>> -> memref<1x1x64xi32, #tpu.memory_space<vmem>>
          %dma_wait3A_369 = tpu.memref_squeeze %dma_wait3A_368 : memref<1x1x64xi32, #tpu.memory_space<vmem>> -> memref<64xi32, #tpu.memory_space<vmem>>
          %dma_wait3A_370 = tpu.memref_slice %arg4[%add3A_333] : memref<663552xi32, #tpu.memory_space<hbm>> -> memref<64xi32, #tpu.memory_space<hbm>>
          tpu.wait_dma2 semaphore(%run_scoped3A_354 : memref<!tpu.dma_semaphore, #tpu.memory_space<semaphore_mem>>) src(%dma_wait3A_370 : memref<64xi32, #tpu.memory_space<hbm>>) dst(%dma_wait3A_369 : memref<64xi32, #tpu.memory_space<vmem>>)
          tpu.yield
        }) : () -> ()
        %run_scoped3A_336 = arith.constant 3 : i32
        %run_scoped3A_337 = arith.constant 1 : i32
        "tpu.region"() ({
          %run_scoped3A_354 = tpu.sem_alloc : memref<!tpu.dma_semaphore, #tpu.memory_space<semaphore_mem>>
          %dma_start3A_355 = arith.constant 0 : i32
          %dma_start3A_356 = tpu.memref_slice %arg9[%run_scoped3A_336, %run_scoped3A_337, %dma_start3A_355] : memref<4x2x64xi32, #tpu.memory_space<vmem>> -> memref<1x1x64xi32, #tpu.memory_space<vmem>>
          %dma_start3A_357 = tpu.memref_squeeze %dma_start3A_356 : memref<1x1x64xi32, #tpu.memory_space<vmem>> -> memref<64xi32, #tpu.memory_space<vmem>>
          %dma_start3A_358 = tpu.memref_slice %arg5[%add3A_333] : memref<663552xi32, #tpu.memory_space<hbm>> -> memref<64xi32, #tpu.memory_space<hbm>>
          %dma_start3A_359 = arith.constant 0 : i32
          %dma_start3A_360 = tpu.memref_slice %arg9[%run_scoped3A_336, %run_scoped3A_337, %dma_start3A_359] : memref<4x2x64xi32, #tpu.memory_space<vmem>> -> memref<1x1x64xi32, #tpu.memory_space<vmem>>
          %dma_start3A_361 = tpu.memref_squeeze %dma_start3A_360 : memref<1x1x64xi32, #tpu.memory_space<vmem>> -> memref<64xi32, #tpu.memory_space<vmem>>
          %dma_start3A_362 = tpu.memref_slice %arg5[%add3A_333] : memref<663552xi32, #tpu.memory_space<hbm>> -> memref<64xi32, #tpu.memory_space<hbm>>
          tpu.enqueue_dma source(%dma_start3A_362 : memref<64xi32, #tpu.memory_space<hbm>>) target(%dma_start3A_361 : memref<64xi32, #tpu.memory_space<vmem>>) target_semaphore(%run_scoped3A_354 : memref<!tpu.dma_semaphore, #tpu.memory_space<semaphore_mem>>)
          %dma_wait3A_363 = arith.constant 0 : i32
          %dma_wait3A_364 = tpu.memref_slice %arg9[%run_scoped3A_336, %run_scoped3A_337, %dma_wait3A_363] : memref<4x2x64xi32, #tpu.memory_space<vmem>> -> memref<1x1x64xi32, #tpu.memory_space<vmem>>
          %dma_wait3A_365 = tpu.memref_squeeze %dma_wait3A_364 : memref<1x1x64xi32, #tpu.memory_space<vmem>> -> memref<64xi32, #tpu.memory_space<vmem>>
          %dma_wait3A_366 = tpu.memref_slice %arg5[%add3A_333] : memref<663552xi32, #tpu.memory_space<hbm>> -> memref<64xi32, #tpu.memory_space<hbm>>
          %dma_wait3A_367 = arith.constant 0 : i32
          %dma_wait3A_368 = tpu.memref_slice %arg9[%run_scoped3A_336, %run_scoped3A_337, %dma_wait3A_367] : memref<4x2x64xi32, #tpu.memory_space<vmem>> -> memref<1x1x64xi32, #tpu.memory_space<vmem>>
          %dma_wait3A_369 = tpu.memref_squeeze %dma_wait3A_368 : memref<1x1x64xi32, #tpu.memory_space<vmem>> -> memref<64xi32, #tpu.memory_space<vmem>>
          %dma_wait3A_370 = tpu.memref_slice %arg5[%add3A_333] : memref<663552xi32, #tpu.memory_space<hbm>> -> memref<64xi32, #tpu.memory_space<hbm>>
          tpu.wait_dma2 semaphore(%run_scoped3A_354 : memref<!tpu.dma_semaphore, #tpu.memory_space<semaphore_mem>>) src(%dma_wait3A_370 : memref<64xi32, #tpu.memory_space<hbm>>) dst(%dma_wait3A_369 : memref<64xi32, #tpu.memory_space<vmem>>)
          tpu.yield
        }) : () -> ()
        %dma_start3A_338 = arith.constant 3 : i32
        %dma_start3A_339 = arith.constant 0 : i32
        %dma_start3A_340 = arith.constant 3 : i32
        %dma_start3A_341 = arith.constant 3 : i32
        %dma_start3A_342 = arith.constant 0 : i32
        %dma_start3A_343 = arith.constant 0 : i32
        %dma_start3A_344 = tpu.memref_slice %arg10[%dma_start3A_340, %dma_start3A_342, %dma_start3A_343] : memref<4x64x128xf32, #tpu.memory_space<vmem>> -> memref<1x64x128xf32, #tpu.memory_space<vmem>>
        %dma_start3A_345 = tpu.memref_squeeze %dma_start3A_344 : memref<1x64x128xf32, #tpu.memory_space<vmem>> -> memref<64x128xf32, #tpu.memory_space<vmem>>
        %dma_start3A_346 = arith.constant 0 : i32
        %dma_start3A_347 = tpu.memref_slice %arg9[%dma_start3A_338, %dma_start3A_339, %dma_start3A_346] : memref<4x2x64xi32, #tpu.memory_space<vmem>> -> memref<1x1x64xi32, #tpu.memory_space<vmem>>
        %dma_start3A_348 = tpu.memref_squeeze %dma_start3A_347 : memref<1x1x64xi32, #tpu.memory_space<vmem>> -> memref<64xi32, #tpu.memory_space<vmem>>
        %dma_start3A_349 = arith.constant 0 : i32
        %dma_start3A_350 = arith.constant 0 : i32
        %dma_start3A_351 = tpu.memref_slice %arg8[%dma_start3A_349, %dma_start3A_350] : memref<1024x128xf32, #tpu.memory_space<vmem_shared>> -> memref<1024x128xf32, #tpu.memory_space<vmem_shared>>
        %dma_start3A_352 = tpu.memref_slice %arg12[%dma_start3A_341] : memref<4x!tpu.dma_semaphore, #tpu.memory_space<semaphore_mem>> -> memref<1x!tpu.dma_semaphore, #tpu.memory_space<semaphore_mem>>
        %dma_start3A_353 = tpu.memref_squeeze %dma_start3A_352 : memref<1x!tpu.dma_semaphore, #tpu.memory_space<semaphore_mem>> -> memref<!tpu.dma_semaphore, #tpu.memory_space<semaphore_mem>>
        tpu.enqueue_indirect_dma source(%dma_start3A_351 : memref<1024x128xf32, #tpu.memory_space<vmem_shared>>) target(%dma_start3A_345 : memref<64x128xf32, #tpu.memory_space<vmem>>) offsets(%dma_start3A_348 : memref<64xi32, #tpu.memory_space<vmem>>) semaphore(%dma_start3A_353 : memref<!tpu.dma_semaphore, #tpu.memory_space<semaphore_mem>>)
      } else {
      }
      %mul3A_180 = arith.constant 4 : i32
      %mul3A_181 = arith.muli %mul3A_180, %while3A_134 : i32
      %add3A_182 = arith.constant 1 : i32
      %add3A_183 = arith.addi %mul3A_181, %add3A_182 : i32
      %dma_wait3A_184 = arith.constant 1 : i32
      %dma_wait3A_185 = arith.constant 0 : i32
      %dma_wait3A_186 = arith.constant 1 : i32
      %dma_wait3A_187 = arith.constant 1 : i32
      %dma_wait3A_188 = arith.constant 0 : i32
      %dma_wait3A_189 = arith.constant 0 : i32
      %dma_wait3A_190 = tpu.memref_slice %arg10[%dma_wait3A_186, %dma_wait3A_188, %dma_wait3A_189] : memref<4x64x128xf32, #tpu.memory_space<vmem>> -> memref<1x64x128xf32, #tpu.memory_space<vmem>>
      %dma_wait3A_191 = tpu.memref_squeeze %dma_wait3A_190 : memref<1x64x128xf32, #tpu.memory_space<vmem>> -> memref<64x128xf32, #tpu.memory_space<vmem>>
      %dma_wait3A_192 = arith.constant 0 : i32
      %dma_wait3A_193 = tpu.memref_slice %arg9[%dma_wait3A_184, %dma_wait3A_185, %dma_wait3A_192] : memref<4x2x64xi32, #tpu.memory_space<vmem>> -> memref<1x1x64xi32, #tpu.memory_space<vmem>>
      %dma_wait3A_194 = tpu.memref_squeeze %dma_wait3A_193 : memref<1x1x64xi32, #tpu.memory_space<vmem>> -> memref<64xi32, #tpu.memory_space<vmem>>
      %dma_wait3A_195 = arith.constant 0 : i32
      %dma_wait3A_196 = arith.constant 0 : i32
      %dma_wait3A_197 = tpu.memref_slice %arg8[%dma_wait3A_195, %dma_wait3A_196] : memref<1024x128xf32, #tpu.memory_space<vmem_shared>> -> memref<1024x128xf32, #tpu.memory_space<vmem_shared>>
      %dma_wait3A_198 = tpu.memref_slice %arg12[%dma_wait3A_187] : memref<4x!tpu.dma_semaphore, #tpu.memory_space<semaphore_mem>> -> memref<1x!tpu.dma_semaphore, #tpu.memory_space<semaphore_mem>>
      %dma_wait3A_199 = tpu.memref_squeeze %dma_wait3A_198 : memref<1x!tpu.dma_semaphore, #tpu.memory_space<semaphore_mem>> -> memref<!tpu.dma_semaphore, #tpu.memory_space<semaphore_mem>>
      tpu.wait_indirect_dma semaphore(%dma_wait3A_199 : memref<!tpu.dma_semaphore, #tpu.memory_space<semaphore_mem>>) src(%dma_wait3A_197 : memref<1024x128xf32, #tpu.memory_space<vmem_shared>>) dst(%dma_wait3A_191 : memref<64x128xf32, #tpu.memory_space<vmem>>)
      %dma_start3A_200 = arith.constant 1 : i32
      %dma_start3A_201 = arith.constant 1 : i32
      %dma_start3A_202 = arith.constant 1 : i32
      %dma_start3A_203 = arith.constant 1 : i32
      %dma_start3A_204 = arith.constant 0 : i32
      %dma_start3A_205 = arith.constant 0 : i32
      %dma_start3A_206 = tpu.memref_slice %arg10[%dma_start3A_200, %dma_start3A_204, %dma_start3A_205] : memref<4x64x128xf32, #tpu.memory_space<vmem>> -> memref<1x64x128xf32, #tpu.memory_space<vmem>>
      %dma_start3A_207 = tpu.memref_squeeze %dma_start3A_206 : memref<1x64x128xf32, #tpu.memory_space<vmem>> -> memref<64x128xf32, #tpu.memory_space<vmem>>
      %dma_start3A_208 = arith.constant 0 : i32
      %dma_start3A_209 = tpu.memref_slice %arg9[%dma_start3A_201, %dma_start3A_202, %dma_start3A_208] : memref<4x2x64xi32, #tpu.memory_space<vmem>> -> memref<1x1x64xi32, #tpu.memory_space<vmem>>
      %dma_start3A_210 = tpu.memref_squeeze %dma_start3A_209 : memref<1x1x64xi32, #tpu.memory_space<vmem>> -> memref<64xi32, #tpu.memory_space<vmem>>
      %dma_start3A_211 = arith.constant 0 : i32
      %dma_start3A_212 = arith.constant 0 : i32
      %dma_start3A_213 = tpu.memref_slice %arg7[%dma_start3A_211, %dma_start3A_212] : memref<10240x128xf32, #tpu.memory_space<vmem_shared>> -> memref<10240x128xf32, #tpu.memory_space<vmem_shared>>
      %dma_start3A_214 = tpu.memref_slice %arg13[%dma_start3A_203] : memref<4x!tpu.dma_semaphore, #tpu.memory_space<semaphore_mem>> -> memref<1x!tpu.dma_semaphore, #tpu.memory_space<semaphore_mem>>
      %dma_start3A_215 = tpu.memref_squeeze %dma_start3A_214 : memref<1x!tpu.dma_semaphore, #tpu.memory_space<semaphore_mem>> -> memref<!tpu.dma_semaphore, #tpu.memory_space<semaphore_mem>>
      tpu.enqueue_indirect_dma source(%dma_start3A_207 : memref<64x128xf32, #tpu.memory_space<vmem>>) target(%dma_start3A_213 : memref<10240x128xf32, #tpu.memory_space<vmem_shared>>) offsets(%dma_start3A_210 : memref<64xi32, #tpu.memory_space<vmem>>) semaphore(%dma_start3A_215 : memref<!tpu.dma_semaphore, #tpu.memory_space<semaphore_mem>>) {add = true}
      %ge3A_216 = arith.constant 1 : i32
      %ge3A_217 = arith.cmpi sge, %add3A_183, %ge3A_216 : i32
      %convert_element_type3A_218 = arith.extui %ge3A_217 : i1 to i32
      %cond3A_219 = arith.constant 0 : i32
      %cond3A_220 = arith.cmpi ne, %convert_element_type3A_218, %cond3A_219 : i32
      scf.if %cond3A_220 {
        %dma_wait3A_327 = arith.constant 0 : i32
        %dma_wait3A_328 = arith.constant 0 : i32
        %dma_wait3A_329 = arith.constant 1 : i32
        %dma_wait3A_330 = arith.constant 0 : i32
        %dma_wait3A_331 = arith.constant 0 : i32
        %dma_wait3A_332 = arith.constant 0 : i32
        %dma_wait3A_333 = tpu.memref_slice %arg10[%dma_wait3A_327, %dma_wait3A_331, %dma_wait3A_332] : memref<4x64x128xf32, #tpu.memory_space<vmem>> -> memref<1x64x128xf32, #tpu.memory_space<vmem>>
        %dma_wait3A_334 = tpu.memref_squeeze %dma_wait3A_333 : memref<1x64x128xf32, #tpu.memory_space<vmem>> -> memref<64x128xf32, #tpu.memory_space<vmem>>
        %dma_wait3A_335 = arith.constant 0 : i32
        %dma_wait3A_336 = tpu.memref_slice %arg9[%dma_wait3A_328, %dma_wait3A_329, %dma_wait3A_335] : memref<4x2x64xi32, #tpu.memory_space<vmem>> -> memref<1x1x64xi32, #tpu.memory_space<vmem>>
        %dma_wait3A_337 = tpu.memref_squeeze %dma_wait3A_336 : memref<1x1x64xi32, #tpu.memory_space<vmem>> -> memref<64xi32, #tpu.memory_space<vmem>>
        %dma_wait3A_338 = arith.constant 0 : i32
        %dma_wait3A_339 = arith.constant 0 : i32
        %dma_wait3A_340 = tpu.memref_slice %arg7[%dma_wait3A_338, %dma_wait3A_339] : memref<10240x128xf32, #tpu.memory_space<vmem_shared>> -> memref<10240x128xf32, #tpu.memory_space<vmem_shared>>
        %dma_wait3A_341 = tpu.memref_slice %arg13[%dma_wait3A_330] : memref<4x!tpu.dma_semaphore, #tpu.memory_space<semaphore_mem>> -> memref<1x!tpu.dma_semaphore, #tpu.memory_space<semaphore_mem>>
        %dma_wait3A_342 = tpu.memref_squeeze %dma_wait3A_341 : memref<1x!tpu.dma_semaphore, #tpu.memory_space<semaphore_mem>> -> memref<!tpu.dma_semaphore, #tpu.memory_space<semaphore_mem>>
        tpu.wait_indirect_dma semaphore(%dma_wait3A_342 : memref<!tpu.dma_semaphore, #tpu.memory_space<semaphore_mem>>) src(%dma_wait3A_334 : memref<64x128xf32, #tpu.memory_space<vmem>>) dst(%dma_wait3A_340 : memref<10240x128xf32, #tpu.memory_space<vmem_shared>>)
      } else {
      }
      %add3A_221 = arith.constant 4 : i32
      %add3A_222 = arith.addi %add3A_183, %add3A_221 : i32
      %sub3A_223 = arith.constant 1 : i32
      %sub3A_224 = arith.subi %add3A_222, %sub3A_223 : i32
      %lt3A_225 = arith.cmpi slt, %sub3A_224, %select_n3A : i32
      %convert_element_type3A_226 = arith.extui %lt3A_225 : i1 to i32
      %cond3A_227 = arith.constant 0 : i32
      %cond3A_228 = arith.cmpi ne, %convert_element_type3A_226, %cond3A_227 : i32
      scf.if %cond3A_228 {
        %add3A_327 = arith.constant 4 : i32
        %add3A_328 = arith.addi %add3A_183, %add3A_327 : i32
        %sub3A_329 = arith.constant 1 : i32
        %sub3A_330 = arith.subi %add3A_328, %sub3A_329 : i32
        %mul3A_331 = arith.constant 64 : i32
        %mul3A_332 = arith.muli %sub3A_330, %mul3A_331 : i32
        %add3A_333 = arith.addi %select_n3A_26, %mul3A_332 : i32
        %run_scoped3A_334 = arith.constant 0 : i32
        %run_scoped3A_335 = arith.constant 0 : i32
        "tpu.region"() ({
          %run_scoped3A_354 = tpu.sem_alloc : memref<!tpu.dma_semaphore, #tpu.memory_space<semaphore_mem>>
          %dma_start3A_355 = arith.constant 0 : i32
          %dma_start3A_356 = tpu.memref_slice %arg9[%run_scoped3A_334, %run_scoped3A_335, %dma_start3A_355] : memref<4x2x64xi32, #tpu.memory_space<vmem>> -> memref<1x1x64xi32, #tpu.memory_space<vmem>>
          %dma_start3A_357 = tpu.memref_squeeze %dma_start3A_356 : memref<1x1x64xi32, #tpu.memory_space<vmem>> -> memref<64xi32, #tpu.memory_space<vmem>>
          %dma_start3A_358 = tpu.memref_slice %arg4[%add3A_333] : memref<663552xi32, #tpu.memory_space<hbm>> -> memref<64xi32, #tpu.memory_space<hbm>>
          %dma_start3A_359 = arith.constant 0 : i32
          %dma_start3A_360 = tpu.memref_slice %arg9[%run_scoped3A_334, %run_scoped3A_335, %dma_start3A_359] : memref<4x2x64xi32, #tpu.memory_space<vmem>> -> memref<1x1x64xi32, #tpu.memory_space<vmem>>
          %dma_start3A_361 = tpu.memref_squeeze %dma_start3A_360 : memref<1x1x64xi32, #tpu.memory_space<vmem>> -> memref<64xi32, #tpu.memory_space<vmem>>
          %dma_start3A_362 = tpu.memref_slice %arg4[%add3A_333] : memref<663552xi32, #tpu.memory_space<hbm>> -> memref<64xi32, #tpu.memory_space<hbm>>
          tpu.enqueue_dma source(%dma_start3A_362 : memref<64xi32, #tpu.memory_space<hbm>>) target(%dma_start3A_361 : memref<64xi32, #tpu.memory_space<vmem>>) target_semaphore(%run_scoped3A_354 : memref<!tpu.dma_semaphore, #tpu.memory_space<semaphore_mem>>)
          %dma_wait3A_363 = arith.constant 0 : i32
          %dma_wait3A_364 = tpu.memref_slice %arg9[%run_scoped3A_334, %run_scoped3A_335, %dma_wait3A_363] : memref<4x2x64xi32, #tpu.memory_space<vmem>> -> memref<1x1x64xi32, #tpu.memory_space<vmem>>
          %dma_wait3A_365 = tpu.memref_squeeze %dma_wait3A_364 : memref<1x1x64xi32, #tpu.memory_space<vmem>> -> memref<64xi32, #tpu.memory_space<vmem>>
          %dma_wait3A_366 = tpu.memref_slice %arg4[%add3A_333] : memref<663552xi32, #tpu.memory_space<hbm>> -> memref<64xi32, #tpu.memory_space<hbm>>
          %dma_wait3A_367 = arith.constant 0 : i32
          %dma_wait3A_368 = tpu.memref_slice %arg9[%run_scoped3A_334, %run_scoped3A_335, %dma_wait3A_367] : memref<4x2x64xi32, #tpu.memory_space<vmem>> -> memref<1x1x64xi32, #tpu.memory_space<vmem>>
          %dma_wait3A_369 = tpu.memref_squeeze %dma_wait3A_368 : memref<1x1x64xi32, #tpu.memory_space<vmem>> -> memref<64xi32, #tpu.memory_space<vmem>>
          %dma_wait3A_370 = tpu.memref_slice %arg4[%add3A_333] : memref<663552xi32, #tpu.memory_space<hbm>> -> memref<64xi32, #tpu.memory_space<hbm>>
          tpu.wait_dma2 semaphore(%run_scoped3A_354 : memref<!tpu.dma_semaphore, #tpu.memory_space<semaphore_mem>>) src(%dma_wait3A_370 : memref<64xi32, #tpu.memory_space<hbm>>) dst(%dma_wait3A_369 : memref<64xi32, #tpu.memory_space<vmem>>)
          tpu.yield
        }) : () -> ()
        %run_scoped3A_336 = arith.constant 0 : i32
        %run_scoped3A_337 = arith.constant 1 : i32
        "tpu.region"() ({
          %run_scoped3A_354 = tpu.sem_alloc : memref<!tpu.dma_semaphore, #tpu.memory_space<semaphore_mem>>
          %dma_start3A_355 = arith.constant 0 : i32
          %dma_start3A_356 = tpu.memref_slice %arg9[%run_scoped3A_336, %run_scoped3A_337, %dma_start3A_355] : memref<4x2x64xi32, #tpu.memory_space<vmem>> -> memref<1x1x64xi32, #tpu.memory_space<vmem>>
          %dma_start3A_357 = tpu.memref_squeeze %dma_start3A_356 : memref<1x1x64xi32, #tpu.memory_space<vmem>> -> memref<64xi32, #tpu.memory_space<vmem>>
          %dma_start3A_358 = tpu.memref_slice %arg5[%add3A_333] : memref<663552xi32, #tpu.memory_space<hbm>> -> memref<64xi32, #tpu.memory_space<hbm>>
          %dma_start3A_359 = arith.constant 0 : i32
          %dma_start3A_360 = tpu.memref_slice %arg9[%run_scoped3A_336, %run_scoped3A_337, %dma_start3A_359] : memref<4x2x64xi32, #tpu.memory_space<vmem>> -> memref<1x1x64xi32, #tpu.memory_space<vmem>>
          %dma_start3A_361 = tpu.memref_squeeze %dma_start3A_360 : memref<1x1x64xi32, #tpu.memory_space<vmem>> -> memref<64xi32, #tpu.memory_space<vmem>>
          %dma_start3A_362 = tpu.memref_slice %arg5[%add3A_333] : memref<663552xi32, #tpu.memory_space<hbm>> -> memref<64xi32, #tpu.memory_space<hbm>>
          tpu.enqueue_dma source(%dma_start3A_362 : memref<64xi32, #tpu.memory_space<hbm>>) target(%dma_start3A_361 : memref<64xi32, #tpu.memory_space<vmem>>) target_semaphore(%run_scoped3A_354 : memref<!tpu.dma_semaphore, #tpu.memory_space<semaphore_mem>>)
          %dma_wait3A_363 = arith.constant 0 : i32
          %dma_wait3A_364 = tpu.memref_slice %arg9[%run_scoped3A_336, %run_scoped3A_337, %dma_wait3A_363] : memref<4x2x64xi32, #tpu.memory_space<vmem>> -> memref<1x1x64xi32, #tpu.memory_space<vmem>>
          %dma_wait3A_365 = tpu.memref_squeeze %dma_wait3A_364 : memref<1x1x64xi32, #tpu.memory_space<vmem>> -> memref<64xi32, #tpu.memory_space<vmem>>
          %dma_wait3A_366 = tpu.memref_slice %arg5[%add3A_333] : memref<663552xi32, #tpu.memory_space<hbm>> -> memref<64xi32, #tpu.memory_space<hbm>>
          %dma_wait3A_367 = arith.constant 0 : i32
          %dma_wait3A_368 = tpu.memref_slice %arg9[%run_scoped3A_336, %run_scoped3A_337, %dma_wait3A_367] : memref<4x2x64xi32, #tpu.memory_space<vmem>> -> memref<1x1x64xi32, #tpu.memory_space<vmem>>
          %dma_wait3A_369 = tpu.memref_squeeze %dma_wait3A_368 : memref<1x1x64xi32, #tpu.memory_space<vmem>> -> memref<64xi32, #tpu.memory_space<vmem>>
          %dma_wait3A_370 = tpu.memref_slice %arg5[%add3A_333] : memref<663552xi32, #tpu.memory_space<hbm>> -> memref<64xi32, #tpu.memory_space<hbm>>
          tpu.wait_dma2 semaphore(%run_scoped3A_354 : memref<!tpu.dma_semaphore, #tpu.memory_space<semaphore_mem>>) src(%dma_wait3A_370 : memref<64xi32, #tpu.memory_space<hbm>>) dst(%dma_wait3A_369 : memref<64xi32, #tpu.memory_space<vmem>>)
          tpu.yield
        }) : () -> ()
        %dma_start3A_338 = arith.constant 0 : i32
        %dma_start3A_339 = arith.constant 0 : i32
        %dma_start3A_340 = arith.constant 0 : i32
        %dma_start3A_341 = arith.constant 0 : i32
        %dma_start3A_342 = arith.constant 0 : i32
        %dma_start3A_343 = arith.constant 0 : i32
        %dma_start3A_344 = tpu.memref_slice %arg10[%dma_start3A_340, %dma_start3A_342, %dma_start3A_343] : memref<4x64x128xf32, #tpu.memory_space<vmem>> -> memref<1x64x128xf32, #tpu.memory_space<vmem>>
        %dma_start3A_345 = tpu.memref_squeeze %dma_start3A_344 : memref<1x64x128xf32, #tpu.memory_space<vmem>> -> memref<64x128xf32, #tpu.memory_space<vmem>>
        %dma_start3A_346 = arith.constant 0 : i32
        %dma_start3A_347 = tpu.memref_slice %arg9[%dma_start3A_338, %dma_start3A_339, %dma_start3A_346] : memref<4x2x64xi32, #tpu.memory_space<vmem>> -> memref<1x1x64xi32, #tpu.memory_space<vmem>>
        %dma_start3A_348 = tpu.memref_squeeze %dma_start3A_347 : memref<1x1x64xi32, #tpu.memory_space<vmem>> -> memref<64xi32, #tpu.memory_space<vmem>>
        %dma_start3A_349 = arith.constant 0 : i32
        %dma_start3A_350 = arith.constant 0 : i32
        %dma_start3A_351 = tpu.memref_slice %arg2[%dma_start3A_349, %dma_start3A_350] : memref<10000x128xf32, #tpu.memory_space<hbm>> -> memref<10000x128xf32, #tpu.memory_space<hbm>>
        %dma_start3A_352 = tpu.memref_slice %arg12[%dma_start3A_341] : memref<4x!tpu.dma_semaphore, #tpu.memory_space<semaphore_mem>> -> memref<1x!tpu.dma_semaphore, #tpu.memory_space<semaphore_mem>>
        %dma_start3A_353 = tpu.memref_squeeze %dma_start3A_352 : memref<1x!tpu.dma_semaphore, #tpu.memory_space<semaphore_mem>> -> memref<!tpu.dma_semaphore, #tpu.memory_space<semaphore_mem>>
        tpu.enqueue_indirect_dma source(%dma_start3A_351 : memref<10000x128xf32, #tpu.memory_space<hbm>>) target(%dma_start3A_345 : memref<64x128xf32, #tpu.memory_space<vmem>>) offsets(%dma_start3A_348 : memref<64xi32, #tpu.memory_space<vmem>>) semaphore(%dma_start3A_353 : memref<!tpu.dma_semaphore, #tpu.memory_space<semaphore_mem>>)
      } else {
      }
      %mul3A_229 = arith.constant 4 : i32
      %mul3A_230 = arith.muli %mul3A_229, %while3A_134 : i32
      %add3A_231 = arith.constant 2 : i32
      %add3A_232 = arith.addi %mul3A_230, %add3A_231 : i32
      %dma_wait3A_233 = arith.constant 2 : i32
      %dma_wait3A_234 = arith.constant 0 : i32
      %dma_wait3A_235 = arith.constant 2 : i32
      %dma_wait3A_236 = arith.constant 2 : i32
      %dma_wait3A_237 = arith.constant 0 : i32
      %dma_wait3A_238 = arith.constant 0 : i32
      %dma_wait3A_239 = tpu.memref_slice %arg10[%dma_wait3A_235, %dma_wait3A_237, %dma_wait3A_238] : memref<4x64x128xf32, #tpu.memory_space<vmem>> -> memref<1x64x128xf32, #tpu.memory_space<vmem>>
      %dma_wait3A_240 = tpu.memref_squeeze %dma_wait3A_239 : memref<1x64x128xf32, #tpu.memory_space<vmem>> -> memref<64x128xf32, #tpu.memory_space<vmem>>
      %dma_wait3A_241 = arith.constant 0 : i32
      %dma_wait3A_242 = tpu.memref_slice %arg9[%dma_wait3A_233, %dma_wait3A_234, %dma_wait3A_241] : memref<4x2x64xi32, #tpu.memory_space<vmem>> -> memref<1x1x64xi32, #tpu.memory_space<vmem>>
      %dma_wait3A_243 = tpu.memref_squeeze %dma_wait3A_242 : memref<1x1x64xi32, #tpu.memory_space<vmem>> -> memref<64xi32, #tpu.memory_space<vmem>>
      %dma_wait3A_244 = arith.constant 0 : i32
      %dma_wait3A_245 = arith.constant 0 : i32
      %dma_wait3A_246 = tpu.memref_slice %arg2[%dma_wait3A_244, %dma_wait3A_245] : memref<10000x128xf32, #tpu.memory_space<hbm>> -> memref<10000x128xf32, #tpu.memory_space<hbm>>
      %dma_wait3A_247 = tpu.memref_slice %arg12[%dma_wait3A_236] : memref<4x!tpu.dma_semaphore, #tpu.memory_space<semaphore_mem>> -> memref<1x!tpu.dma_semaphore, #tpu.memory_space<semaphore_mem>>
      %dma_wait3A_248 = tpu.memref_squeeze %dma_wait3A_247 : memref<1x!tpu.dma_semaphore, #tpu.memory_space<semaphore_mem>> -> memref<!tpu.dma_semaphore, #tpu.memory_space<semaphore_mem>>
      tpu.wait_indirect_dma semaphore(%dma_wait3A_248 : memref<!tpu.dma_semaphore, #tpu.memory_space<semaphore_mem>>) src(%dma_wait3A_246 : memref<10000x128xf32, #tpu.memory_space<hbm>>) dst(%dma_wait3A_240 : memref<64x128xf32, #tpu.memory_space<vmem>>)
      %dma_start3A_249 = arith.constant 2 : i32
      %dma_start3A_250 = arith.constant 2 : i32
      %dma_start3A_251 = arith.constant 1 : i32
      %dma_start3A_252 = arith.constant 2 : i32
      %dma_start3A_253 = arith.constant 0 : i32
      %dma_start3A_254 = arith.constant 0 : i32
      %dma_start3A_255 = tpu.memref_slice %arg10[%dma_start3A_249, %dma_start3A_253, %dma_start3A_254] : memref<4x64x128xf32, #tpu.memory_space<vmem>> -> memref<1x64x128xf32, #tpu.memory_space<vmem>>
      %dma_start3A_256 = tpu.memref_squeeze %dma_start3A_255 : memref<1x64x128xf32, #tpu.memory_space<vmem>> -> memref<64x128xf32, #tpu.memory_space<vmem>>
      %dma_start3A_257 = arith.constant 0 : i32
      %dma_start3A_258 = tpu.memref_slice %arg9[%dma_start3A_250, %dma_start3A_251, %dma_start3A_257] : memref<4x2x64xi32, #tpu.memory_space<vmem>> -> memref<1x1x64xi32, #tpu.memory_space<vmem>>
      %dma_start3A_259 = tpu.memref_squeeze %dma_start3A_258 : memref<1x1x64xi32, #tpu.memory_space<vmem>> -> memref<64xi32, #tpu.memory_space<vmem>>
      %dma_start3A_260 = arith.constant 0 : i32
      %dma_start3A_261 = arith.constant 0 : i32
      %dma_start3A_262 = tpu.memref_slice %arg7[%dma_start3A_260, %dma_start3A_261] : memref<10240x128xf32, #tpu.memory_space<vmem_shared>> -> memref<10240x128xf32, #tpu.memory_space<vmem_shared>>
      %dma_start3A_263 = tpu.memref_slice %arg13[%dma_start3A_252] : memref<4x!tpu.dma_semaphore, #tpu.memory_space<semaphore_mem>> -> memref<1x!tpu.dma_semaphore, #tpu.memory_space<semaphore_mem>>
      %dma_start3A_264 = tpu.memref_squeeze %dma_start3A_263 : memref<1x!tpu.dma_semaphore, #tpu.memory_space<semaphore_mem>> -> memref<!tpu.dma_semaphore, #tpu.memory_space<semaphore_mem>>
      tpu.enqueue_indirect_dma source(%dma_start3A_256 : memref<64x128xf32, #tpu.memory_space<vmem>>) target(%dma_start3A_262 : memref<10240x128xf32, #tpu.memory_space<vmem_shared>>) offsets(%dma_start3A_259 : memref<64xi32, #tpu.memory_space<vmem>>) semaphore(%dma_start3A_264 : memref<!tpu.dma_semaphore, #tpu.memory_space<semaphore_mem>>) {add = true}
      %ge3A_265 = arith.constant 1 : i32
      %ge3A_266 = arith.cmpi sge, %add3A_232, %ge3A_265 : i32
      %convert_element_type3A_267 = arith.extui %ge3A_266 : i1 to i32
      %cond3A_268 = arith.constant 0 : i32
      %cond3A_269 = arith.cmpi ne, %convert_element_type3A_267, %cond3A_268 : i32
      scf.if %cond3A_269 {
        %dma_wait3A_327 = arith.constant 1 : i32
        %dma_wait3A_328 = arith.constant 1 : i32
        %dma_wait3A_329 = arith.constant 1 : i32
        %dma_wait3A_330 = arith.constant 1 : i32
        %dma_wait3A_331 = arith.constant 0 : i32
        %dma_wait3A_332 = arith.constant 0 : i32
        %dma_wait3A_333 = tpu.memref_slice %arg10[%dma_wait3A_327, %dma_wait3A_331, %dma_wait3A_332] : memref<4x64x128xf32, #tpu.memory_space<vmem>> -> memref<1x64x128xf32, #tpu.memory_space<vmem>>
        %dma_wait3A_334 = tpu.memref_squeeze %dma_wait3A_333 : memref<1x64x128xf32, #tpu.memory_space<vmem>> -> memref<64x128xf32, #tpu.memory_space<vmem>>
        %dma_wait3A_335 = arith.constant 0 : i32
        %dma_wait3A_336 = tpu.memref_slice %arg9[%dma_wait3A_328, %dma_wait3A_329, %dma_wait3A_335] : memref<4x2x64xi32, #tpu.memory_space<vmem>> -> memref<1x1x64xi32, #tpu.memory_space<vmem>>
        %dma_wait3A_337 = tpu.memref_squeeze %dma_wait3A_336 : memref<1x1x64xi32, #tpu.memory_space<vmem>> -> memref<64xi32, #tpu.memory_space<vmem>>
        %dma_wait3A_338 = arith.constant 0 : i32
        %dma_wait3A_339 = arith.constant 0 : i32
        %dma_wait3A_340 = tpu.memref_slice %arg7[%dma_wait3A_338, %dma_wait3A_339] : memref<10240x128xf32, #tpu.memory_space<vmem_shared>> -> memref<10240x128xf32, #tpu.memory_space<vmem_shared>>
        %dma_wait3A_341 = tpu.memref_slice %arg13[%dma_wait3A_330] : memref<4x!tpu.dma_semaphore, #tpu.memory_space<semaphore_mem>> -> memref<1x!tpu.dma_semaphore, #tpu.memory_space<semaphore_mem>>
        %dma_wait3A_342 = tpu.memref_squeeze %dma_wait3A_341 : memref<1x!tpu.dma_semaphore, #tpu.memory_space<semaphore_mem>> -> memref<!tpu.dma_semaphore, #tpu.memory_space<semaphore_mem>>
        tpu.wait_indirect_dma semaphore(%dma_wait3A_342 : memref<!tpu.dma_semaphore, #tpu.memory_space<semaphore_mem>>) src(%dma_wait3A_334 : memref<64x128xf32, #tpu.memory_space<vmem>>) dst(%dma_wait3A_340 : memref<10240x128xf32, #tpu.memory_space<vmem_shared>>)
      } else {
      }
      %add3A_270 = arith.constant 4 : i32
      %add3A_271 = arith.addi %add3A_232, %add3A_270 : i32
      %sub3A_272 = arith.constant 1 : i32
      %sub3A_273 = arith.subi %add3A_271, %sub3A_272 : i32
      %lt3A_274 = arith.cmpi slt, %sub3A_273, %select_n3A : i32
      %convert_element_type3A_275 = arith.extui %lt3A_274 : i1 to i32
      %cond3A_276 = arith.constant 0 : i32
      %cond3A_277 = arith.cmpi ne, %convert_element_type3A_275, %cond3A_276 : i32
      scf.if %cond3A_277 {
        %add3A_327 = arith.constant 4 : i32
        %add3A_328 = arith.addi %add3A_232, %add3A_327 : i32
        %sub3A_329 = arith.constant 1 : i32
        %sub3A_330 = arith.subi %add3A_328, %sub3A_329 : i32
        %mul3A_331 = arith.constant 64 : i32
        %mul3A_332 = arith.muli %sub3A_330, %mul3A_331 : i32
        %add3A_333 = arith.addi %select_n3A_26, %mul3A_332 : i32
        %run_scoped3A_334 = arith.constant 1 : i32
        %run_scoped3A_335 = arith.constant 0 : i32
        "tpu.region"() ({
          %run_scoped3A_354 = tpu.sem_alloc : memref<!tpu.dma_semaphore, #tpu.memory_space<semaphore_mem>>
          %dma_start3A_355 = arith.constant 0 : i32
          %dma_start3A_356 = tpu.memref_slice %arg9[%run_scoped3A_334, %run_scoped3A_335, %dma_start3A_355] : memref<4x2x64xi32, #tpu.memory_space<vmem>> -> memref<1x1x64xi32, #tpu.memory_space<vmem>>
          %dma_start3A_357 = tpu.memref_squeeze %dma_start3A_356 : memref<1x1x64xi32, #tpu.memory_space<vmem>> -> memref<64xi32, #tpu.memory_space<vmem>>
          %dma_start3A_358 = tpu.memref_slice %arg4[%add3A_333] : memref<663552xi32, #tpu.memory_space<hbm>> -> memref<64xi32, #tpu.memory_space<hbm>>
          %dma_start3A_359 = arith.constant 0 : i32
          %dma_start3A_360 = tpu.memref_slice %arg9[%run_scoped3A_334, %run_scoped3A_335, %dma_start3A_359] : memref<4x2x64xi32, #tpu.memory_space<vmem>> -> memref<1x1x64xi32, #tpu.memory_space<vmem>>
          %dma_start3A_361 = tpu.memref_squeeze %dma_start3A_360 : memref<1x1x64xi32, #tpu.memory_space<vmem>> -> memref<64xi32, #tpu.memory_space<vmem>>
          %dma_start3A_362 = tpu.memref_slice %arg4[%add3A_333] : memref<663552xi32, #tpu.memory_space<hbm>> -> memref<64xi32, #tpu.memory_space<hbm>>
          tpu.enqueue_dma source(%dma_start3A_362 : memref<64xi32, #tpu.memory_space<hbm>>) target(%dma_start3A_361 : memref<64xi32, #tpu.memory_space<vmem>>) target_semaphore(%run_scoped3A_354 : memref<!tpu.dma_semaphore, #tpu.memory_space<semaphore_mem>>)
          %dma_wait3A_363 = arith.constant 0 : i32
          %dma_wait3A_364 = tpu.memref_slice %arg9[%run_scoped3A_334, %run_scoped3A_335, %dma_wait3A_363] : memref<4x2x64xi32, #tpu.memory_space<vmem>> -> memref<1x1x64xi32, #tpu.memory_space<vmem>>
          %dma_wait3A_365 = tpu.memref_squeeze %dma_wait3A_364 : memref<1x1x64xi32, #tpu.memory_space<vmem>> -> memref<64xi32, #tpu.memory_space<vmem>>
          %dma_wait3A_366 = tpu.memref_slice %arg4[%add3A_333] : memref<663552xi32, #tpu.memory_space<hbm>> -> memref<64xi32, #tpu.memory_space<hbm>>
          %dma_wait3A_367 = arith.constant 0 : i32
          %dma_wait3A_368 = tpu.memref_slice %arg9[%run_scoped3A_334, %run_scoped3A_335, %dma_wait3A_367] : memref<4x2x64xi32, #tpu.memory_space<vmem>> -> memref<1x1x64xi32, #tpu.memory_space<vmem>>
          %dma_wait3A_369 = tpu.memref_squeeze %dma_wait3A_368 : memref<1x1x64xi32, #tpu.memory_space<vmem>> -> memref<64xi32, #tpu.memory_space<vmem>>
          %dma_wait3A_370 = tpu.memref_slice %arg4[%add3A_333] : memref<663552xi32, #tpu.memory_space<hbm>> -> memref<64xi32, #tpu.memory_space<hbm>>
          tpu.wait_dma2 semaphore(%run_scoped3A_354 : memref<!tpu.dma_semaphore, #tpu.memory_space<semaphore_mem>>) src(%dma_wait3A_370 : memref<64xi32, #tpu.memory_space<hbm>>) dst(%dma_wait3A_369 : memref<64xi32, #tpu.memory_space<vmem>>)
          tpu.yield
        }) : () -> ()
        %run_scoped3A_336 = arith.constant 1 : i32
        %run_scoped3A_337 = arith.constant 1 : i32
        "tpu.region"() ({
          %run_scoped3A_354 = tpu.sem_alloc : memref<!tpu.dma_semaphore, #tpu.memory_space<semaphore_mem>>
          %dma_start3A_355 = arith.constant 0 : i32
          %dma_start3A_356 = tpu.memref_slice %arg9[%run_scoped3A_336, %run_scoped3A_337, %dma_start3A_355] : memref<4x2x64xi32, #tpu.memory_space<vmem>> -> memref<1x1x64xi32, #tpu.memory_space<vmem>>
          %dma_start3A_357 = tpu.memref_squeeze %dma_start3A_356 : memref<1x1x64xi32, #tpu.memory_space<vmem>> -> memref<64xi32, #tpu.memory_space<vmem>>
          %dma_start3A_358 = tpu.memref_slice %arg5[%add3A_333] : memref<663552xi32, #tpu.memory_space<hbm>> -> memref<64xi32, #tpu.memory_space<hbm>>
          %dma_start3A_359 = arith.constant 0 : i32
          %dma_start3A_360 = tpu.memref_slice %arg9[%run_scoped3A_336, %run_scoped3A_337, %dma_start3A_359] : memref<4x2x64xi32, #tpu.memory_space<vmem>> -> memref<1x1x64xi32, #tpu.memory_space<vmem>>
          %dma_start3A_361 = tpu.memref_squeeze %dma_start3A_360 : memref<1x1x64xi32, #tpu.memory_space<vmem>> -> memref<64xi32, #tpu.memory_space<vmem>>
          %dma_start3A_362 = tpu.memref_slice %arg5[%add3A_333] : memref<663552xi32, #tpu.memory_space<hbm>> -> memref<64xi32, #tpu.memory_space<hbm>>
          tpu.enqueue_dma source(%dma_start3A_362 : memref<64xi32, #tpu.memory_space<hbm>>) target(%dma_start3A_361 : memref<64xi32, #tpu.memory_space<vmem>>) target_semaphore(%run_scoped3A_354 : memref<!tpu.dma_semaphore, #tpu.memory_space<semaphore_mem>>)
          %dma_wait3A_363 = arith.constant 0 : i32
          %dma_wait3A_364 = tpu.memref_slice %arg9[%run_scoped3A_336, %run_scoped3A_337, %dma_wait3A_363] : memref<4x2x64xi32, #tpu.memory_space<vmem>> -> memref<1x1x64xi32, #tpu.memory_space<vmem>>
          %dma_wait3A_365 = tpu.memref_squeeze %dma_wait3A_364 : memref<1x1x64xi32, #tpu.memory_space<vmem>> -> memref<64xi32, #tpu.memory_space<vmem>>
          %dma_wait3A_366 = tpu.memref_slice %arg5[%add3A_333] : memref<663552xi32, #tpu.memory_space<hbm>> -> memref<64xi32, #tpu.memory_space<hbm>>
          %dma_wait3A_367 = arith.constant 0 : i32
          %dma_wait3A_368 = tpu.memref_slice %arg9[%run_scoped3A_336, %run_scoped3A_337, %dma_wait3A_367] : memref<4x2x64xi32, #tpu.memory_space<vmem>> -> memref<1x1x64xi32, #tpu.memory_space<vmem>>
          %dma_wait3A_369 = tpu.memref_squeeze %dma_wait3A_368 : memref<1x1x64xi32, #tpu.memory_space<vmem>> -> memref<64xi32, #tpu.memory_space<vmem>>
          %dma_wait3A_370 = tpu.memref_slice %arg5[%add3A_333] : memref<663552xi32, #tpu.memory_space<hbm>> -> memref<64xi32, #tpu.memory_space<hbm>>
          tpu.wait_dma2 semaphore(%run_scoped3A_354 : memref<!tpu.dma_semaphore, #tpu.memory_space<semaphore_mem>>) src(%dma_wait3A_370 : memref<64xi32, #tpu.memory_space<hbm>>) dst(%dma_wait3A_369 : memref<64xi32, #tpu.memory_space<vmem>>)
          tpu.yield
        }) : () -> ()
        %dma_start3A_338 = arith.constant 1 : i32
        %dma_start3A_339 = arith.constant 0 : i32
        %dma_start3A_340 = arith.constant 1 : i32
        %dma_start3A_341 = arith.constant 1 : i32
        %dma_start3A_342 = arith.constant 0 : i32
        %dma_start3A_343 = arith.constant 0 : i32
        %dma_start3A_344 = tpu.memref_slice %arg10[%dma_start3A_340, %dma_start3A_342, %dma_start3A_343] : memref<4x64x128xf32, #tpu.memory_space<vmem>> -> memref<1x64x128xf32, #tpu.memory_space<vmem>>
        %dma_start3A_345 = tpu.memref_squeeze %dma_start3A_344 : memref<1x64x128xf32, #tpu.memory_space<vmem>> -> memref<64x128xf32, #tpu.memory_space<vmem>>
        %dma_start3A_346 = arith.constant 0 : i32
        %dma_start3A_347 = tpu.memref_slice %arg9[%dma_start3A_338, %dma_start3A_339, %dma_start3A_346] : memref<4x2x64xi32, #tpu.memory_space<vmem>> -> memref<1x1x64xi32, #tpu.memory_space<vmem>>
        %dma_start3A_348 = tpu.memref_squeeze %dma_start3A_347 : memref<1x1x64xi32, #tpu.memory_space<vmem>> -> memref<64xi32, #tpu.memory_space<vmem>>
        %dma_start3A_349 = arith.constant 0 : i32
        %dma_start3A_350 = arith.constant 0 : i32
        %dma_start3A_351 = tpu.memref_slice %arg8[%dma_start3A_349, %dma_start3A_350] : memref<1024x128xf32, #tpu.memory_space<vmem_shared>> -> memref<1024x128xf32, #tpu.memory_space<vmem_shared>>
        %dma_start3A_352 = tpu.memref_slice %arg12[%dma_start3A_341] : memref<4x!tpu.dma_semaphore, #tpu.memory_space<semaphore_mem>> -> memref<1x!tpu.dma_semaphore, #tpu.memory_space<semaphore_mem>>
        %dma_start3A_353 = tpu.memref_squeeze %dma_start3A_352 : memref<1x!tpu.dma_semaphore, #tpu.memory_space<semaphore_mem>> -> memref<!tpu.dma_semaphore, #tpu.memory_space<semaphore_mem>>
        tpu.enqueue_indirect_dma source(%dma_start3A_351 : memref<1024x128xf32, #tpu.memory_space<vmem_shared>>) target(%dma_start3A_345 : memref<64x128xf32, #tpu.memory_space<vmem>>) offsets(%dma_start3A_348 : memref<64xi32, #tpu.memory_space<vmem>>) semaphore(%dma_start3A_353 : memref<!tpu.dma_semaphore, #tpu.memory_space<semaphore_mem>>)
      } else {
      }
      %mul3A_278 = arith.constant 4 : i32
      %mul3A_279 = arith.muli %mul3A_278, %while3A_134 : i32
      %add3A_280 = arith.constant 3 : i32
      %add3A_281 = arith.addi %mul3A_279, %add3A_280 : i32
      %dma_wait3A_282 = arith.constant 3 : i32
      %dma_wait3A_283 = arith.constant 0 : i32
      %dma_wait3A_284 = arith.constant 3 : i32
      %dma_wait3A_285 = arith.constant 3 : i32
      %dma_wait3A_286 = arith.constant 0 : i32
      %dma_wait3A_287 = arith.constant 0 : i32
      %dma_wait3A_288 = tpu.memref_slice %arg10[%dma_wait3A_284, %dma_wait3A_286, %dma_wait3A_287] : memref<4x64x128xf32, #tpu.memory_space<vmem>> -> memref<1x64x128xf32, #tpu.memory_space<vmem>>
      %dma_wait3A_289 = tpu.memref_squeeze %dma_wait3A_288 : memref<1x64x128xf32, #tpu.memory_space<vmem>> -> memref<64x128xf32, #tpu.memory_space<vmem>>
      %dma_wait3A_290 = arith.constant 0 : i32
      %dma_wait3A_291 = tpu.memref_slice %arg9[%dma_wait3A_282, %dma_wait3A_283, %dma_wait3A_290] : memref<4x2x64xi32, #tpu.memory_space<vmem>> -> memref<1x1x64xi32, #tpu.memory_space<vmem>>
      %dma_wait3A_292 = tpu.memref_squeeze %dma_wait3A_291 : memref<1x1x64xi32, #tpu.memory_space<vmem>> -> memref<64xi32, #tpu.memory_space<vmem>>
      %dma_wait3A_293 = arith.constant 0 : i32
      %dma_wait3A_294 = arith.constant 0 : i32
      %dma_wait3A_295 = tpu.memref_slice %arg8[%dma_wait3A_293, %dma_wait3A_294] : memref<1024x128xf32, #tpu.memory_space<vmem_shared>> -> memref<1024x128xf32, #tpu.memory_space<vmem_shared>>
      %dma_wait3A_296 = tpu.memref_slice %arg12[%dma_wait3A_285] : memref<4x!tpu.dma_semaphore, #tpu.memory_space<semaphore_mem>> -> memref<1x!tpu.dma_semaphore, #tpu.memory_space<semaphore_mem>>
      %dma_wait3A_297 = tpu.memref_squeeze %dma_wait3A_296 : memref<1x!tpu.dma_semaphore, #tpu.memory_space<semaphore_mem>> -> memref<!tpu.dma_semaphore, #tpu.memory_space<semaphore_mem>>
      tpu.wait_indirect_dma semaphore(%dma_wait3A_297 : memref<!tpu.dma_semaphore, #tpu.memory_space<semaphore_mem>>) src(%dma_wait3A_295 : memref<1024x128xf32, #tpu.memory_space<vmem_shared>>) dst(%dma_wait3A_289 : memref<64x128xf32, #tpu.memory_space<vmem>>)
      %dma_start3A_298 = arith.constant 3 : i32
      %dma_start3A_299 = arith.constant 3 : i32
      %dma_start3A_300 = arith.constant 1 : i32
      %dma_start3A_301 = arith.constant 3 : i32
      %dma_start3A_302 = arith.constant 0 : i32
      %dma_start3A_303 = arith.constant 0 : i32
      %dma_start3A_304 = tpu.memref_slice %arg10[%dma_start3A_298, %dma_start3A_302, %dma_start3A_303] : memref<4x64x128xf32, #tpu.memory_space<vmem>> -> memref<1x64x128xf32, #tpu.memory_space<vmem>>
      %dma_start3A_305 = tpu.memref_squeeze %dma_start3A_304 : memref<1x64x128xf32, #tpu.memory_space<vmem>> -> memref<64x128xf32, #tpu.memory_space<vmem>>
      %dma_start3A_306 = arith.constant 0 : i32
      %dma_start3A_307 = tpu.memref_slice %arg9[%dma_start3A_299, %dma_start3A_300, %dma_start3A_306] : memref<4x2x64xi32, #tpu.memory_space<vmem>> -> memref<1x1x64xi32, #tpu.memory_space<vmem>>
      %dma_start3A_308 = tpu.memref_squeeze %dma_start3A_307 : memref<1x1x64xi32, #tpu.memory_space<vmem>> -> memref<64xi32, #tpu.memory_space<vmem>>
      %dma_start3A_309 = arith.constant 0 : i32
      %dma_start3A_310 = arith.constant 0 : i32
      %dma_start3A_311 = tpu.memref_slice %arg7[%dma_start3A_309, %dma_start3A_310] : memref<10240x128xf32, #tpu.memory_space<vmem_shared>> -> memref<10240x128xf32, #tpu.memory_space<vmem_shared>>
      %dma_start3A_312 = tpu.memref_slice %arg13[%dma_start3A_301] : memref<4x!tpu.dma_semaphore, #tpu.memory_space<semaphore_mem>> -> memref<1x!tpu.dma_semaphore, #tpu.memory_space<semaphore_mem>>
      %dma_start3A_313 = tpu.memref_squeeze %dma_start3A_312 : memref<1x!tpu.dma_semaphore, #tpu.memory_space<semaphore_mem>> -> memref<!tpu.dma_semaphore, #tpu.memory_space<semaphore_mem>>
      tpu.enqueue_indirect_dma source(%dma_start3A_305 : memref<64x128xf32, #tpu.memory_space<vmem>>) target(%dma_start3A_311 : memref<10240x128xf32, #tpu.memory_space<vmem_shared>>) offsets(%dma_start3A_308 : memref<64xi32, #tpu.memory_space<vmem>>) semaphore(%dma_start3A_313 : memref<!tpu.dma_semaphore, #tpu.memory_space<semaphore_mem>>) {add = true}
      %ge3A_314 = arith.constant 1 : i32
      %ge3A_315 = arith.cmpi sge, %add3A_281, %ge3A_314 : i32
      %convert_element_type3A_316 = arith.extui %ge3A_315 : i1 to i32
      %cond3A_317 = arith.constant 0 : i32
      %cond3A_318 = arith.cmpi ne, %convert_element_type3A_316, %cond3A_317 : i32
      scf.if %cond3A_318 {
        %dma_wait3A_327 = arith.constant 2 : i32
        %dma_wait3A_328 = arith.constant 2 : i32
        %dma_wait3A_329 = arith.constant 1 : i32
        %dma_wait3A_330 = arith.constant 2 : i32
        %dma_wait3A_331 = arith.constant 0 : i32
        %dma_wait3A_332 = arith.constant 0 : i32
        %dma_wait3A_333 = tpu.memref_slice %arg10[%dma_wait3A_327, %dma_wait3A_331, %dma_wait3A_332] : memref<4x64x128xf32, #tpu.memory_space<vmem>> -> memref<1x64x128xf32, #tpu.memory_space<vmem>>
        %dma_wait3A_334 = tpu.memref_squeeze %dma_wait3A_333 : memref<1x64x128xf32, #tpu.memory_space<vmem>> -> memref<64x128xf32, #tpu.memory_space<vmem>>
        %dma_wait3A_335 = arith.constant 0 : i32
        %dma_wait3A_336 = tpu.memref_slice %arg9[%dma_wait3A_328, %dma_wait3A_329, %dma_wait3A_335] : memref<4x2x64xi32, #tpu.memory_space<vmem>> -> memref<1x1x64xi32, #tpu.memory_space<vmem>>
        %dma_wait3A_337 = tpu.memref_squeeze %dma_wait3A_336 : memref<1x1x64xi32, #tpu.memory_space<vmem>> -> memref<64xi32, #tpu.memory_space<vmem>>
        %dma_wait3A_338 = arith.constant 0 : i32
        %dma_wait3A_339 = arith.constant 0 : i32
        %dma_wait3A_340 = tpu.memref_slice %arg7[%dma_wait3A_338, %dma_wait3A_339] : memref<10240x128xf32, #tpu.memory_space<vmem_shared>> -> memref<10240x128xf32, #tpu.memory_space<vmem_shared>>
        %dma_wait3A_341 = tpu.memref_slice %arg13[%dma_wait3A_330] : memref<4x!tpu.dma_semaphore, #tpu.memory_space<semaphore_mem>> -> memref<1x!tpu.dma_semaphore, #tpu.memory_space<semaphore_mem>>
        %dma_wait3A_342 = tpu.memref_squeeze %dma_wait3A_341 : memref<1x!tpu.dma_semaphore, #tpu.memory_space<semaphore_mem>> -> memref<!tpu.dma_semaphore, #tpu.memory_space<semaphore_mem>>
        tpu.wait_indirect_dma semaphore(%dma_wait3A_342 : memref<!tpu.dma_semaphore, #tpu.memory_space<semaphore_mem>>) src(%dma_wait3A_334 : memref<64x128xf32, #tpu.memory_space<vmem>>) dst(%dma_wait3A_340 : memref<10240x128xf32, #tpu.memory_space<vmem_shared>>)
      } else {
      }
      %add3A_319 = arith.constant 4 : i32
      %add3A_320 = arith.addi %add3A_281, %add3A_319 : i32
      %sub3A_321 = arith.constant 1 : i32
      %sub3A_322 = arith.subi %add3A_320, %sub3A_321 : i32
      %lt3A_323 = arith.cmpi slt, %sub3A_322, %select_n3A : i32
      %convert_element_type3A_324 = arith.extui %lt3A_323 : i1 to i32
      %cond3A_325 = arith.constant 0 : i32
      %cond3A_326 = arith.cmpi ne, %convert_element_type3A_324, %cond3A_325 : i32
      scf.if %cond3A_326 {
        %add3A_327 = arith.constant 4 : i32
        %add3A_328 = arith.addi %add3A_281, %add3A_327 : i32
        %sub3A_329 = arith.constant 1 : i32
        %sub3A_330 = arith.subi %add3A_328, %sub3A_329 : i32
        %mul3A_331 = arith.constant 64 : i32
        %mul3A_332 = arith.muli %sub3A_330, %mul3A_331 : i32
        %add3A_333 = arith.addi %select_n3A_26, %mul3A_332 : i32
        %run_scoped3A_334 = arith.constant 2 : i32
        %run_scoped3A_335 = arith.constant 0 : i32
        "tpu.region"() ({
          %run_scoped3A_354 = tpu.sem_alloc : memref<!tpu.dma_semaphore, #tpu.memory_space<semaphore_mem>>
          %dma_start3A_355 = arith.constant 0 : i32
          %dma_start3A_356 = tpu.memref_slice %arg9[%run_scoped3A_334, %run_scoped3A_335, %dma_start3A_355] : memref<4x2x64xi32, #tpu.memory_space<vmem>> -> memref<1x1x64xi32, #tpu.memory_space<vmem>>
          %dma_start3A_357 = tpu.memref_squeeze %dma_start3A_356 : memref<1x1x64xi32, #tpu.memory_space<vmem>> -> memref<64xi32, #tpu.memory_space<vmem>>
          %dma_start3A_358 = tpu.memref_slice %arg4[%add3A_333] : memref<663552xi32, #tpu.memory_space<hbm>> -> memref<64xi32, #tpu.memory_space<hbm>>
          %dma_start3A_359 = arith.constant 0 : i32
          %dma_start3A_360 = tpu.memref_slice %arg9[%run_scoped3A_334, %run_scoped3A_335, %dma_start3A_359] : memref<4x2x64xi32, #tpu.memory_space<vmem>> -> memref<1x1x64xi32, #tpu.memory_space<vmem>>
          %dma_start3A_361 = tpu.memref_squeeze %dma_start3A_360 : memref<1x1x64xi32, #tpu.memory_space<vmem>> -> memref<64xi32, #tpu.memory_space<vmem>>
          %dma_start3A_362 = tpu.memref_slice %arg4[%add3A_333] : memref<663552xi32, #tpu.memory_space<hbm>> -> memref<64xi32, #tpu.memory_space<hbm>>
          tpu.enqueue_dma source(%dma_start3A_362 : memref<64xi32, #tpu.memory_space<hbm>>) target(%dma_start3A_361 : memref<64xi32, #tpu.memory_space<vmem>>) target_semaphore(%run_scoped3A_354 : memref<!tpu.dma_semaphore, #tpu.memory_space<semaphore_mem>>)
          %dma_wait3A_363 = arith.constant 0 : i32
          %dma_wait3A_364 = tpu.memref_slice %arg9[%run_scoped3A_334, %run_scoped3A_335, %dma_wait3A_363] : memref<4x2x64xi32, #tpu.memory_space<vmem>> -> memref<1x1x64xi32, #tpu.memory_space<vmem>>
          %dma_wait3A_365 = tpu.memref_squeeze %dma_wait3A_364 : memref<1x1x64xi32, #tpu.memory_space<vmem>> -> memref<64xi32, #tpu.memory_space<vmem>>
          %dma_wait3A_366 = tpu.memref_slice %arg4[%add3A_333] : memref<663552xi32, #tpu.memory_space<hbm>> -> memref<64xi32, #tpu.memory_space<hbm>>
          %dma_wait3A_367 = arith.constant 0 : i32
          %dma_wait3A_368 = tpu.memref_slice %arg9[%run_scoped3A_334, %run_scoped3A_335, %dma_wait3A_367] : memref<4x2x64xi32, #tpu.memory_space<vmem>> -> memref<1x1x64xi32, #tpu.memory_space<vmem>>
          %dma_wait3A_369 = tpu.memref_squeeze %dma_wait3A_368 : memref<1x1x64xi32, #tpu.memory_space<vmem>> -> memref<64xi32, #tpu.memory_space<vmem>>
          %dma_wait3A_370 = tpu.memref_slice %arg4[%add3A_333] : memref<663552xi32, #tpu.memory_space<hbm>> -> memref<64xi32, #tpu.memory_space<hbm>>
          tpu.wait_dma2 semaphore(%run_scoped3A_354 : memref<!tpu.dma_semaphore, #tpu.memory_space<semaphore_mem>>) src(%dma_wait3A_370 : memref<64xi32, #tpu.memory_space<hbm>>) dst(%dma_wait3A_369 : memref<64xi32, #tpu.memory_space<vmem>>)
          tpu.yield
        }) : () -> ()
        %run_scoped3A_336 = arith.constant 2 : i32
        %run_scoped3A_337 = arith.constant 1 : i32
        "tpu.region"() ({
          %run_scoped3A_354 = tpu.sem_alloc : memref<!tpu.dma_semaphore, #tpu.memory_space<semaphore_mem>>
          %dma_start3A_355 = arith.constant 0 : i32
          %dma_start3A_356 = tpu.memref_slice %arg9[%run_scoped3A_336, %run_scoped3A_337, %dma_start3A_355] : memref<4x2x64xi32, #tpu.memory_space<vmem>> -> memref<1x1x64xi32, #tpu.memory_space<vmem>>
          %dma_start3A_357 = tpu.memref_squeeze %dma_start3A_356 : memref<1x1x64xi32, #tpu.memory_space<vmem>> -> memref<64xi32, #tpu.memory_space<vmem>>
          %dma_start3A_358 = tpu.memref_slice %arg5[%add3A_333] : memref<663552xi32, #tpu.memory_space<hbm>> -> memref<64xi32, #tpu.memory_space<hbm>>
          %dma_start3A_359 = arith.constant 0 : i32
          %dma_start3A_360 = tpu.memref_slice %arg9[%run_scoped3A_336, %run_scoped3A_337, %dma_start3A_359] : memref<4x2x64xi32, #tpu.memory_space<vmem>> -> memref<1x1x64xi32, #tpu.memory_space<vmem>>
          %dma_start3A_361 = tpu.memref_squeeze %dma_start3A_360 : memref<1x1x64xi32, #tpu.memory_space<vmem>> -> memref<64xi32, #tpu.memory_space<vmem>>
          %dma_start3A_362 = tpu.memref_slice %arg5[%add3A_333] : memref<663552xi32, #tpu.memory_space<hbm>> -> memref<64xi32, #tpu.memory_space<hbm>>
          tpu.enqueue_dma source(%dma_start3A_362 : memref<64xi32, #tpu.memory_space<hbm>>) target(%dma_start3A_361 : memref<64xi32, #tpu.memory_space<vmem>>) target_semaphore(%run_scoped3A_354 : memref<!tpu.dma_semaphore, #tpu.memory_space<semaphore_mem>>)
          %dma_wait3A_363 = arith.constant 0 : i32
          %dma_wait3A_364 = tpu.memref_slice %arg9[%run_scoped3A_336, %run_scoped3A_337, %dma_wait3A_363] : memref<4x2x64xi32, #tpu.memory_space<vmem>> -> memref<1x1x64xi32, #tpu.memory_space<vmem>>
          %dma_wait3A_365 = tpu.memref_squeeze %dma_wait3A_364 : memref<1x1x64xi32, #tpu.memory_space<vmem>> -> memref<64xi32, #tpu.memory_space<vmem>>
          %dma_wait3A_366 = tpu.memref_slice %arg5[%add3A_333] : memref<663552xi32, #tpu.memory_space<hbm>> -> memref<64xi32, #tpu.memory_space<hbm>>
          %dma_wait3A_367 = arith.constant 0 : i32
          %dma_wait3A_368 = tpu.memref_slice %arg9[%run_scoped3A_336, %run_scoped3A_337, %dma_wait3A_367] : memref<4x2x64xi32, #tpu.memory_space<vmem>> -> memref<1x1x64xi32, #tpu.memory_space<vmem>>
          %dma_wait3A_369 = tpu.memref_squeeze %dma_wait3A_368 : memref<1x1x64xi32, #tpu.memory_space<vmem>> -> memref<64xi32, #tpu.memory_space<vmem>>
          %dma_wait3A_370 = tpu.memref_slice %arg5[%add3A_333] : memref<663552xi32, #tpu.memory_space<hbm>> -> memref<64xi32, #tpu.memory_space<hbm>>
          tpu.wait_dma2 semaphore(%run_scoped3A_354 : memref<!tpu.dma_semaphore, #tpu.memory_space<semaphore_mem>>) src(%dma_wait3A_370 : memref<64xi32, #tpu.memory_space<hbm>>) dst(%dma_wait3A_369 : memref<64xi32, #tpu.memory_space<vmem>>)
          tpu.yield
        }) : () -> ()
        %dma_start3A_338 = arith.constant 2 : i32
        %dma_start3A_339 = arith.constant 0 : i32
        %dma_start3A_340 = arith.constant 2 : i32
        %dma_start3A_341 = arith.constant 2 : i32
        %dma_start3A_342 = arith.constant 0 : i32
        %dma_start3A_343 = arith.constant 0 : i32
        %dma_start3A_344 = tpu.memref_slice %arg10[%dma_start3A_340, %dma_start3A_342, %dma_start3A_343] : memref<4x64x128xf32, #tpu.memory_space<vmem>> -> memref<1x64x128xf32, #tpu.memory_space<vmem>>
        %dma_start3A_345 = tpu.memref_squeeze %dma_start3A_344 : memref<1x64x128xf32, #tpu.memory_space<vmem>> -> memref<64x128xf32, #tpu.memory_space<vmem>>
        %dma_start3A_346 = arith.constant 0 : i32
        %dma_start3A_347 = tpu.memref_slice %arg9[%dma_start3A_338, %dma_start3A_339, %dma_start3A_346] : memref<4x2x64xi32, #tpu.memory_space<vmem>> -> memref<1x1x64xi32, #tpu.memory_space<vmem>>
        %dma_start3A_348 = tpu.memref_squeeze %dma_start3A_347 : memref<1x1x64xi32, #tpu.memory_space<vmem>> -> memref<64xi32, #tpu.memory_space<vmem>>
        %dma_start3A_349 = arith.constant 0 : i32
        %dma_start3A_350 = arith.constant 0 : i32
        %dma_start3A_351 = tpu.memref_slice %arg2[%dma_start3A_349, %dma_start3A_350] : memref<10000x128xf32, #tpu.memory_space<hbm>> -> memref<10000x128xf32, #tpu.memory_space<hbm>>
        %dma_start3A_352 = tpu.memref_slice %arg12[%dma_start3A_341] : memref<4x!tpu.dma_semaphore, #tpu.memory_space<semaphore_mem>> -> memref<1x!tpu.dma_semaphore, #tpu.memory_space<semaphore_mem>>
        %dma_start3A_353 = tpu.memref_squeeze %dma_start3A_352 : memref<1x!tpu.dma_semaphore, #tpu.memory_space<semaphore_mem>> -> memref<!tpu.dma_semaphore, #tpu.memory_space<semaphore_mem>>
        tpu.enqueue_indirect_dma source(%dma_start3A_351 : memref<10000x128xf32, #tpu.memory_space<hbm>>) target(%dma_start3A_345 : memref<64x128xf32, #tpu.memory_space<vmem>>) offsets(%dma_start3A_348 : memref<64xi32, #tpu.memory_space<vmem>>) semaphore(%dma_start3A_353 : memref<!tpu.dma_semaphore, #tpu.memory_space<semaphore_mem>>)
      } else {
      }
    }
    %dma_wait3A = arith.constant 3 : i32
    %dma_wait3A_118 = arith.constant 3 : i32
    %dma_wait3A_119 = arith.constant 1 : i32
    %dma_wait3A_120 = arith.constant 3 : i32
    %dma_wait3A_121 = arith.constant 0 : i32
    %dma_wait3A_122 = arith.constant 0 : i32
    %dma_wait3A_123 = tpu.memref_slice %arg10[%dma_wait3A, %dma_wait3A_121, %dma_wait3A_122] : memref<4x64x128xf32, #tpu.memory_space<vmem>> -> memref<1x64x128xf32, #tpu.memory_space<vmem>>
    %dma_wait3A_124 = tpu.memref_squeeze %dma_wait3A_123 : memref<1x64x128xf32, #tpu.memory_space<vmem>> -> memref<64x128xf32, #tpu.memory_space<vmem>>
    %dma_wait3A_125 = arith.constant 0 : i32
    %dma_wait3A_126 = tpu.memref_slice %arg9[%dma_wait3A_118, %dma_wait3A_119, %dma_wait3A_125] : memref<4x2x64xi32, #tpu.memory_space<vmem>> -> memref<1x1x64xi32, #tpu.memory_space<vmem>>
    %dma_wait3A_127 = tpu.memref_squeeze %dma_wait3A_126 : memref<1x1x64xi32, #tpu.memory_space<vmem>> -> memref<64xi32, #tpu.memory_space<vmem>>
    %dma_wait3A_128 = arith.constant 0 : i32
    %dma_wait3A_129 = arith.constant 0 : i32
    %dma_wait3A_130 = tpu.memref_slice %arg7[%dma_wait3A_128, %dma_wait3A_129] : memref<10240x128xf32, #tpu.memory_space<vmem_shared>> -> memref<10240x128xf32, #tpu.memory_space<vmem_shared>>
    %dma_wait3A_131 = tpu.memref_slice %arg13[%dma_wait3A_120] : memref<4x!tpu.dma_semaphore, #tpu.memory_space<semaphore_mem>> -> memref<1x!tpu.dma_semaphore, #tpu.memory_space<semaphore_mem>>
    %dma_wait3A_132 = tpu.memref_squeeze %dma_wait3A_131 : memref<1x!tpu.dma_semaphore, #tpu.memory_space<semaphore_mem>> -> memref<!tpu.dma_semaphore, #tpu.memory_space<semaphore_mem>>
    tpu.wait_indirect_dma semaphore(%dma_wait3A_132 : memref<!tpu.dma_semaphore, #tpu.memory_space<semaphore_mem>>) src(%dma_wait3A_124 : memref<64x128xf32, #tpu.memory_space<vmem>>) dst(%dma_wait3A_130 : memref<10240x128xf32, #tpu.memory_space<vmem_shared>>)
    %barrier3A_133 = arith.constant 0 : index
    tpu.barrier barrier_id(%barrier3A_133)
    "tpu.region"() ({
      %run_scoped3A_134 = tpu.sem_alloc : memref<!tpu.dma_semaphore, #tpu.memory_space<semaphore_mem>>
      %dma_start3A_135 = arith.constant 0 : i32
      %dma_start3A_136 = arith.constant 0 : i32
      %dma_start3A_137 = tpu.memref_slice %arg6[%arg0, %dma_start3A_135, %dma_start3A_136] : memref<2x10240x128xf32, #tpu.memory_space<hbm>> -> memref<1x10240x128xf32, #tpu.memory_space<hbm>>
      %dma_start3A_138 = tpu.memref_squeeze %dma_start3A_137 : memref<1x10240x128xf32, #tpu.memory_space<hbm>> -> memref<10240x128xf32, #tpu.memory_space<hbm>>
      %dma_start3A_139 = arith.constant 0 : i32
      %dma_start3A_140 = tpu.memref_slice %dma_start3A_138[%mul3A_6, %dma_start3A_139] : memref<10240x128xf32, #tpu.memory_space<hbm>> -> memref<640x128xf32, #tpu.memory_space<hbm>>
      %dma_start3A_141 = arith.constant 0 : i32
      %dma_start3A_142 = tpu.memref_slice %arg7[%mul3A_6, %dma_start3A_141] : memref<10240x128xf32, #tpu.memory_space<vmem_shared>> -> memref<640x128xf32, #tpu.memory_space<vmem_shared>>
      tpu.enqueue_dma source(%dma_start3A_142 : memref<640x128xf32, #tpu.memory_space<vmem_shared>>) target(%dma_start3A_140 : memref<640x128xf32, #tpu.memory_space<hbm>>) target_semaphore(%run_scoped3A_134 : memref<!tpu.dma_semaphore, #tpu.memory_space<semaphore_mem>>)
      %dma_wait3A_143 = arith.constant 0 : i32
      %dma_wait3A_144 = arith.constant 0 : i32
      %dma_wait3A_145 = tpu.memref_slice %arg6[%arg0, %dma_wait3A_143, %dma_wait3A_144] : memref<2x10240x128xf32, #tpu.memory_space<hbm>> -> memref<1x10240x128xf32, #tpu.memory_space<hbm>>
      %dma_wait3A_146 = tpu.memref_squeeze %dma_wait3A_145 : memref<1x10240x128xf32, #tpu.memory_space<hbm>> -> memref<10240x128xf32, #tpu.memory_space<hbm>>
      %dma_wait3A_147 = arith.constant 0 : i32
      %dma_wait3A_148 = tpu.memref_slice %dma_wait3A_146[%mul3A_6, %dma_wait3A_147] : memref<10240x128xf32, #tpu.memory_space<hbm>> -> memref<640x128xf32, #tpu.memory_space<hbm>>
      %dma_wait3A_149 = arith.constant 0 : i32
      %dma_wait3A_150 = tpu.memref_slice %arg7[%mul3A_6, %dma_wait3A_149] : memref<10240x128xf32, #tpu.memory_space<vmem_shared>> -> memref<640x128xf32, #tpu.memory_space<vmem_shared>>
      tpu.wait_dma2 semaphore(%run_scoped3A_134 : memref<!tpu.dma_semaphore, #tpu.memory_space<semaphore_mem>>) src(%dma_wait3A_150 : memref<640x128xf32, #tpu.memory_space<vmem_shared>>) dst(%dma_wait3A_148 : memref<640x128xf32, #tpu.memory_space<hbm>>)
      tpu.yield
    }) : () -> ()
    return
  }
}

module attributes {stable_mosaic.version = 14 : i64} {
  func.func @_merge_kernel(%arg0: i32, %arg1: memref<2x1024x128xf32, #tpu.memory_space<vmem>>, %arg2: memref<1024x128xf32, #tpu.memory_space<vmem>>) attributes {dimension_semantics = [#tpu.dimension_semantics<arbitrary>], iteration_bounds = array<i64: 10>, scalar_prefetch = 0 : i64, scratch_operands = 0 : i64, tpu.core_type = #tpu.core_type<tc>, window_params = [{transform_indices = @transform_0, window_bounds = array<i64: 2, 1024, 128>}, {transform_indices = @transform_1, window_bounds = array<i64: 1024, 128>}]} {
    %get3A = arith.constant 0 : index
    %get3A_0 = arith.constant 0 : index
    %get3A_1 = arith.constant 0 : index
    %get3A_2 = vector.load %arg1[%get3A, %get3A_0, %get3A_1] : memref<2x1024x128xf32, #tpu.memory_space<vmem>>, vector<1x1024x128xf32>
    %get3A_3 = vector.shape_cast %get3A_2 : vector<1x1024x128xf32> to vector<1024x128xf32>
    %get3A_4 = arith.constant 1 : index
    %get3A_5 = arith.constant 0 : index
    %get3A_6 = arith.constant 0 : index
    %get3A_7 = vector.load %arg1[%get3A_4, %get3A_5, %get3A_6] : memref<2x1024x128xf32, #tpu.memory_space<vmem>>, vector<1x1024x128xf32>
    %get3A_8 = vector.shape_cast %get3A_7 : vector<1x1024x128xf32> to vector<1024x128xf32>
    %add3A = arith.addf %get3A_3, %get3A_8 : vector<1024x128xf32>
    %swap3A = arith.constant 0 : index
    %swap3A_9 = arith.constant 0 : index
    %swap3A_10 = vector.load %arg2[%swap3A, %swap3A_9] : memref<1024x128xf32, #tpu.memory_space<vmem>>, vector<1024x128xf32>
    tpu.vector_store %arg2[%swap3A, %swap3A_9], %add3A {strides = array<i32>} : memref<1024x128xf32, #tpu.memory_space<vmem>>, vector<1024x128xf32>,
    return
  }
  func.func @transform_0(%arg0: i32) -> (i32, i32, i32) {
    %c0_i32 = arith.constant 0 : i32
    %c0_i32_0 = arith.constant 0 : i32
    %c0_i32_1 = arith.constant 0 : i32
    return %c0_i32, %arg0, %c0_i32_0 : i32, i32, i32
  }
  func.func @transform_1(%arg0: i32) -> (i32, i32) {
    %c0_i32 = arith.constant 0 : i32
    %c0_i32_0 = arith.constant 0 : i32
    return %arg0, %c0_i32 : i32, i32
  }
}

</mosaic_0001>

<sc_bundles>
// kernel: _propagate.4.cloned.1.call-start
scs
__scs_entry_jumppad:
0x0: {  	(pc) =	sbr.rel $0x88, $3  }
0x1: {  	(tag) =	ssettag $0x0;
	lr =	simm.s32 $0x1  }
0x2: {  	[smem:$0x3F9D] =	sst lr;
	_ =	strace $0xD0000000  }
0x3: {  	_ = 	snop  }
0x4: {  	_ = 	snop  }
0x5: {  	_ = 	snop  }
0x6: {  	_ = 	snop  }
0x7: {  	_ = 	snop  }
__scs_overlays_trampoline_lowered:
0x8: {  	[smem:$0x3FAC] =	sst s0  }
0x9: {  	[smem:$0x3FAD] =	sst s1  }
0xa: {  	[smem:$0x3FAE] =	sst s2  }
0xb: {  	[smem:$0x3FAF] =	sst s3  }
0xc: {  	[smem:$0x3FB0] =	sst s4  }
0xd: {  	[smem:$0x3FB1] =	sst s5  }
0xe: {  	[smem:$0x3FB2] =	sst s6  }
0xf: {  	[smem:$0x3FB3] =	sst s7  }
0x10: {  	[smem:$0x3FB4] =	sst s8  }
0x11: {  	[smem:$0x3FB5] =	sst s9;
	s0 =	simm.s32 @!p0 $0x0  }
0x12: {  	s1 =	sld [smem:$0x3F9B];
	s0 =	simm.s32 @p0 $0x1  }
0x13: {  	[smem:$0x3FB6] =	sst s0;
	s0 =	simm.s32 @!p1 $0x0  }
0x14: {  	s2 =	sld [smem:$0x3F9A];
	s0 =	simm.s32 @p1 $0x1  }
0x15: {  	[smem:$0x3FB7] =	sst s0;
	s0 =	simm.s32 @!p2 $0x0  }
0x16: {  	s3 =	sld [smem:$0x3FDB];
	s0 =	simm.s32 @p2 $0x1  }
0x17: {  	s4 =	simm.s32 $0x1BF5;
	[smem:$0x3FB9] =	sst s0  }
0x18: {  	s0 =	sld [smem:$0x3F9C];
	_ =	swait.ge [sflag:s4], $0x0  }
0x19: {  	s7 =	sld [smem:$0x3F9D]  }
0x1a: {  	s8 =	sadd.s32 $0xFFFFE003, lr  }
0x1b: {  	s9 =	sadd.s32 $0xFFFFFEF7, lr;
	s5 =	simm.s32 $0xFFFFFFFF;
	p2 =	slt.u32 s8, $0xFFFFF086  }
0x1c: {  	p1 =	slt.u32 s9, $0xF7A;
	s5 =	simm.s32 @!p2 $0x0  }
0x1d: {  	s5 =	simm.s32 @p1 $0x1;
	p0 =	seq.s32 s7, s2  }
0x1e: {  	s7 =	smul.u32 @!p0 $0xF7A, s2;
	p2 =	seq.s32 @!p0 s5, $0x0  }
0x1f: {  	s9 =	smul.u32 $0xF7A, s1;
	s8 =	simm.s32 @!p0 $0x1BF5;
	p2 =	por !p2, p0  }
0x20: {  	[sflag:s8] =	ssyncset.s32 @!p0 $0xFFFFF086;
	s6 =	sadd.s32 @!p0 s3, s7;
	s7 =	simm.s32 @!p0 $0x108  }
0x21: {  	s3 =	sadd.s32 s3, s9;
	s6 =	sadd.s32 @!p0 $0x88, s6;
	s7 =	simm.s32 @p2 $0x1082  }
0x22: {  	[simem:s7], [sflag:s8] =	dma.local @!p0 [hbm:s6], $0xF7A  }
0x23: {  	s9 =	sor.u32 $0xD0000000, s2;
	s6 =	simm.s32 $0x108;
	_ =	swait.ge @!p0 [sflag:s8], $0x0  }
0x24: {  	s3 =	sadd.s32 $0x88, s3;
	s6 =	simm.s32 @!p1 $0x1082;
	[sflag:s4] =	ssyncset.s32 $0xFFFFF086  }
0x25: {  	[simem:s6], [sflag:s4] =	dma.local [hbm:s3], $0xF7A  }
0x26: {  	[smem:$0x3F9D] =	sst s1;
	(tag) =	ssettag s2;
	_ =	strace s9  }
0x27: {  	s1 =	sld [smem:$0x3FAD]  }
0x28: {  	s2 =	sld [smem:$0x3FAE]  }
0x29: {  	s4 =	sld [smem:$0x3FB0]  }
0x2a: {  	p0 =	seq.s32 s5, $0x0;
	s5 =	sld [smem:$0x3FB1]  }
0x2b: {  	s6 =	sld [smem:$0x3FB2]  }
0x2c: {  	s7 =	sld [smem:$0x3FB3]  }
0x2d: {  	s3 =	simm.s32 $0x108;
	s8 =	sld [smem:$0x3FB4]  }
0x2e: {  	s3 =	simm.s32 @!p0 $0x1082;
	s9 =	sld [smem:$0x3FB5]  }
0x2f: {  	lr =	sadd.s32 s0, s3;
	s0 =	sld [smem:$0x3FAC]  }
0x30: {  	s3 =	sld [smem:$0x3FAF]  }
0x31: {  	[smem:$0x3FB8] =	sst s10  }
0x32: {  	s10 =	sld [smem:$0x3FB6];
	_ =	sdelay $0x3  }
0x33: {  	p0 =	seq.s32 s10, $0x1;
	s10 =	sld [smem:$0x3FB8];
	_ =	sdelay $0x3  }
0x34: {  	[smem:$0x3FB8] =	sst s10  }
0x35: {  	s10 =	sld [smem:$0x3FB7];
	_ =	sdelay $0x3  }
0x36: {  	p1 =	seq.s32 s10, $0x1;
	s10 =	sld [smem:$0x3FB8];
	_ =	sdelay $0x3  }
0x37: {  	[smem:$0x3FB8] =	sst s10  }
0x38: {  	s10 =	sld [smem:$0x3FB9]  }
0x39: {  	_ = 	snop;
	(pc) =	sbr.ind lr, $3  }
0x3a: {  	_ = 	snop  }
0x3b: {  	_ = 	snop  }
0x3c: {  	p2 =	seq.s32 s10, $0x1;
	s10 =	sld [smem:$0x3FB8]  }
0x3d: {  	_ =	shalt  }
0x3e: {  	_ =	shalt  }
0x3f: {  	_ =	shalt  }
0x40: {  	_ =	shalt  }
0x41: {  	_ =	shalt  }
0x42: {  	_ =	shalt  }
0x43: {  	_ =	shalt  }
0x44: {  	_ =	shalt  }
0x45: {  	_ =	shalt  }
0x46: {  	_ =	shalt  }
0x47: {  	_ =	shalt  }
0x48: {  	_ =	shalt  }
0x49: {  	_ =	shalt  }
0x4a: {  	_ =	shalt  }
0x4b: {  	_ =	shalt  }
0x4c: {  	_ =	shalt  }
0x4d: {  	_ =	shalt  }
0x4e: {  	_ =	shalt  }
0x4f: {  	_ =	shalt  }
0x50: {  	_ =	shalt  }
0x51: {  	_ =	shalt  }
0x52: {  	_ =	shalt  }
0x53: {  	_ =	shalt  }
0x54: {  	_ =	shalt  }
0x55: {  	_ =	shalt  }
0x56: {  	_ =	shalt  }
0x57: {  	_ =	shalt  }
0x58: {  	_ =	shalt  }
0x59: {  	_ =	shalt  }
0x5a: {  	_ =	shalt  }
0x5b: {  	_ =	shalt  }
0x5c: {  	_ =	shalt  }
0x5d: {  	_ =	shalt  }
0x5e: {  	_ =	shalt  }
0x5f: {  	_ =	shalt  }
0x60: {  	_ =	shalt  }
0x61: {  	_ =	shalt  }
0x62: {  	_ =	shalt  }
0x63: {  	_ =	shalt  }
0x64: {  	_ =	shalt  }
0x65: {  	_ =	shalt  }
0x66: {  	_ =	shalt  }
0x67: {  	_ =	shalt  }
0x68: {  	_ =	shalt  }
0x69: {  	_ =	shalt  }
0x6a: {  	_ =	shalt  }
0x6b: {  	_ =	shalt  }
0x6c: {  	_ =	shalt  }
0x6d: {  	_ =	shalt  }
0x6e: {  	_ =	shalt  }
0x6f: {  	_ =	shalt  }
0x70: {  	_ =	shalt  }
0x71: {  	_ =	shalt  }
0x72: {  	_ =	shalt  }
0x73: {  	_ =	shalt  }
0x74: {  	_ =	shalt  }
0x75: {  	_ =	shalt  }
0x76: {  	_ =	shalt  }
0x77: {  	_ =	shalt  }
0x78: {  	_ =	shalt  }
0x79: {  	_ =	shalt  }
0x7a: {  	_ =	shalt  }
0x7b: {  	_ =	shalt  }
0x7c: {  	_ =	shalt  }
0x7d: {  	_ =	shalt  }
0x7e: {  	_ =	shalt  }
0x7f: {  	_ =	shalt  }
0x80: {  	_ =	shalt  }
0x81: {  	_ =	shalt  }
0x82: {  	_ =	shalt  }
0x83: {  	_ =	shalt  }
0x84: {  	_ =	shalt  }
0x85: {  	_ =	shalt  }
0x86: {  	_ =	shalt  }
0x87: {  	_ =	shalt  }
.Lfunc_end0:
.L_simem_size_0:
called_computation_lowered:
.L_overlay_start_0:
0x88: {  	s2 =	sld [smem:$0x3FD9]  }
0x89: {  	s3 =	sld [smem:$0x3FFE];
	_ =	sdelay $0x1  }
0x8a: {  	s1 =	srdreg.scid  }
0x8b: {  	s0 =	sand.u32 $0x1, s1  }
0x8c: {  	s17 =	sshll.u32 s0, $0xA;
	s2 =	sadd.s32 s3, s2  }
0x8d: {  	s2 =	sadd.s32 s2, s17  }
0x8e: {  	[smem:$0x3FC4] =	sst s2  }
0x8f: {  	_ = 	snop  }
0x90: {  	s2 =	sld [smem:$0x3FC9]  }
0x91: {  	s18 =	sld [smem:$0x3FC8]  }
0x92: {  	s4 =	sld [smem:$0x3FC7]  }
0x93: {  	s5 =	sld [smem:$0x3FC6];
	(tm) =	ssettm $0x1  }
0x94: {  	s6 =	sld [smem:$0x3FFB];
	_ =	sdelay $0x3  }
0x95: {  	_ =	strace s6  }
0x96: {  	s6 =	sld [smem:$0x3FFC];
	_ =	sdelay $0x3  }
0x97: {  	_ =	strace s6  }
0x98: {  	s6 =	sld [smem:$0x3FFD];
	_ =	sdelay $0x3  }
0x99: {  	_ =	strace s6  }
0x9a: {  	_ =	strace $0x8FFFFFFF  }
0x9b: {  	s19 =	sld [smem:$0x3FDB];
	_ =	sdelay $0x1  }
0x9c: {  	s7 =	simm.s32 $_scs_section_size  }
0x9d: {  	s8 =	simm.s32 $_size__tile_overlayer_lowered;
	s9 =	simm.s32 $_tile_overlayer_lowered  }
0x9e: {  	s22 =	simm.s32 $0x1BFF;
	s21 =	sshll.u32 s9, $0x1;
	s6 =	sadd.s32 s7, s19  }
0x9f: {  	s10 =	simm.s32 $0x0;
	s20 =	sshll.u32 s8, $0x1;
	s8 =	sadd.s32 s21, s6  }
0xa0: {  	[timem:s10], [sflag:s22] =	dma.local [hbm:s8], s20  }
0xa1: {  	_ =	swait.ge [sflag:s22], s20  }
0xa2: {  	s7 =	ssub.s32 $0x0, s20;
	[sflag:s22] =	ssyncset.done $0x0  }
0xa3: {  	[sflag:s22] =	ssyncadd.s32 s7;
	_ =	sdelay $0x1  }
0xa4: {  	s23 =	simm.s32 $0x1B8B  }
0xa5: {  	_ =	swait.ge [sflag:s23], $0x1  }
0xa6: {  	[sflag:s23] =	ssyncset.done $0x0  }
0xa7: {  	s25 =	simm.s32 $0x1B8E;
	s24 =	sld [smem:$0x3FFE];
	[sflag:s23] =	ssyncadd.s32 $0xFFFFFFFF  }
0xa8: {  	s26 =	simm.s32 $execute0_lowered;
	[smem:$0x3FD2] =	sst s25  }
0xa9: {  	s8 =	sshll.u32 s26, $0x1;
	_ =	strace $0x80000046;
	[dreg:$0x1] =	wrdreg $0xFFFFFFFF  }
0xaa: {  	s28 =	simm.s32 $_size_execute0_lowered;
	s6 =	sadd.s32 s6, s8;
	[dreg:$0x0] =	wrdreg $0x0  }
0xab: {  	s8 =	sshll.u32 s28, $0x1;
	[dreg:$0x2] =	wrdreg s6  }
0xac: {  	[dreg:$0x3] =	wrdreg s8  }
0xad: {  	[dreg:$0x4] =	wrdreg $0xC0  }
0xae: {  	_ =	task [dreg:s10], $0x5FFFF  }
0xaf: {  	[dreg:$0x1] =	wrdreg $0xFFFFFFFF  }
0xb0: {  	[dreg:$0x0] =	wrdreg $0x60  }
0xb1: {  	[dreg:$0x2] =	wrdreg s2  }
0xb2: {  	[dreg:$0x3] =	wrdreg s18  }
0xb3: {  	[dreg:$0x4] =	wrdreg s4  }
0xb4: {  	[dreg:$0x5] =	wrdreg s5  }
0xb5: {  	[dreg:$0x6] =	wrdreg s24  }
0xb6: {  	[dreg:$0x7] =	wrdreg $0x0  }
0xb7: {  	[dreg:$0x8] =	wrdreg $0x140000  }
0xb8: {  	[dreg:$0x9] =	wrdreg $0x9  }
0xb9: {  	_ =	task.clear_ibuf [dreg:s10], $0xAFFFF;
	_ =	strace $0x90000046  }
0xba: {  	s29 =	simm.s32 $0x9;
	_ =	strace $0x80000048  }
0xbb: {  	_ =	swait.ge [sflag:s29], $0x1  }
0xbc: {  	[sflag:s29] =	ssyncadd.s32 $0xFFFFFFFF  }
0xbd: {  	_ =	strace $0x90000048  }
0xbe: {  	_ =	sfence  }
0xbf: {  	s30 =	sld [smem:$0x0];
	_ =	sdelay $0x2  }
0xc0: {  	s31 =	sshll.u32 s1, $0xD;
	s1 =	sshrl.u32 s1, $0x2  }
0xc1: {  	s3 =	sand.u32 $0x4000, s31;
	s1 =	sadd.s32 s1, s30  }
0xc2: {  	s0 =	sor.u32 s3, s0;
	s1 =	sshll.u32 s1, $0x11  }
0xc3: {  	s0 =	sor.u32 s1, s0  }
0xc4: {  	s0 =	sadd.s32 $0x8F2B, s0  }
0xc5: {  	[sflag:s0] =	ssyncadd.remote.s32 $0x1  }
0xc6: {  	_ =	sfence.sel $0xFFFF  }
0xc7: {  	[dreg:$0x0] =	wrdreg $0xFFFFFFFF;
	(pc) =	sbr.abs _section_cstart, $3  }
0xc8: {  	[dreg:$0x1] =	wrdreg $0xFFFFFFFF  }
0xc9: {  	_ =	task.clear_ibuf [dreg:s10], $0x2FFFF;
	_ =	strace $0x9FFFFFFF  }
0xca: {  	(tm) =	ssettm $0x7FFFFFFF  }
0xcb: {  	_ =	shalt  }
tec
execute0_lowered:
.L_overlay_start_1:
0x0: {  	(tag) =	ssettag $0x1  }
0x1: {  	s0 =	rddreg [dreg:$0x0]  }
0x2: {  	s8 =	rddreg [dreg:$0x1]  }
0x3: {  	s1 =	rddreg [dreg:$0x2]  }
0x4: {  	s4 =	rddreg [dreg:$0x3]  }
0x5: {  	s6 =	rddreg [dreg:$0x4]  }
0x6: {  	s5 =	srdreg.scid;
	s15 =	stileid.u32  }
0x7: {  	s2 =	rddreg [dreg:$0x5];
	s7 =	sand.u32 $0x1, s5;
	s11 =	smul.u32 $0x50000, s15  }
0x8: {  	s3 =	rddreg [dreg:$0x6];
	s5 =	simm.s32 $0x0;
	s9 =	smul.u32 $0x28000, s7  }
0x9: {  	[smem:$0x7FF] =	sst s5;
	s10 =	ssub.s32 $0x2, s7;
	p0 =	seq.s32 s7, $0x0  }
0xa: {  	s7 =	simm.s32 $0x170;
	_ =	strace $0x80000047;
	s13 =	sshrl.u32 s10, $0x1  }
0xb: {  	s14 =	sshrl.u32 s11, $0x2;
	s7 =	simm.s32 @!p0 $0x118;
	s9 =	sadd.s32 s9, s6  }
0xc: {  	s6 =	sadd.s32 s14, s2;
	s14 =	sshll.u32 s15, $0xA;
	s22 =	sshll.u32 s7, $0x3  }
0xd: {  	s10 =	ssub.s32 s10, s13;
	s8 =	sadd.s32 s8, s14;
	[dreg:$0x8] =	wrdreg s22  }
0xe: {  	s16 =	smul.u32 $0x4600, s15;
	s10 =	smax.u32 s10, $0x1;
	[dreg:$0x13] =	wrdreg s8  }
0xf: {  	s13 =	smul.u32 $0x5C00, s15;
	s22 =	sadd.s32 $0x3000, s6;
	[dreg:$0x1a] =	wrdreg s10  }
0x10: {  	s11 =	sadd.s32 $0x5C000, s16;
	s14 =	sadd.s32 $0x8000, s6;
	[dreg:$0x1d] =	wrdreg s22  }
0x11: {  	s11 =	smov.u32 @p0 s13;
	s10 =	sadd.s32 $0x7000, s6;
	[smem:$0x7F1] =	sst s14  }
0x12: {  	s22 =	sadd.s32 $0xF000, s6;
	s8 =	sshrl.u32 s11, $0x3;
	[smem:$0x7EF] =	sst s10  }
0x13: {  	[smem:$0x7F9] =	sst s22;
	s11 =	sadd.s32 s1, s8  }
0x14: {  	s17 =	sadd.s32 s4, s8;
	s18 =	sor.u32 $0x8, s8;
	[dreg:$0x14] =	wrdreg s11  }
0x15: {  	[dreg:$0x15] =	wrdreg s17;
	s19 =	sadd.s32 s1, s18  }
0x16: {  	s20 =	sor.u32 $0x10, s8;
	s11 =	sadd.s32 s4, s18;
	[dreg:$0x16] =	wrdreg s19  }
0x17: {  	s23 =	sor.u32 $0x18, s8;
	s21 =	sadd.s32 s1, s20;
	[dreg:$0x17] =	wrdreg s11  }
0x18: {  	s24 =	sadd.s32 s23, s4;
	[dreg:$0x18] =	wrdreg s21  }
0x19: {  	s26 =	sor.u32 $0x20, s8;
	s25 =	sadd.s32 s23, s1;
	[dreg:$0x9] =	wrdreg s24  }
0x1a: {  	s16 =	sadd.s32 s26, s4;
	[dreg:$0xa] =	wrdreg s25  }
0x1b: {  	s17 =	sadd.s32 s26, s1;
	[dreg:$0xb] =	wrdreg s16  }
0x1c: {  	s23 =	sadd.s32 $0x4000, s6;
	[dreg:$0xc] =	wrdreg s17  }
0x1d: {  	s26 =	sadd.s32 $0x6000, s6;
	[dreg:$0x1e] =	wrdreg s23  }
0x1e: {  	s11 =	sadd.s32 s4, s20;
	[smem:$0x7EE] =	sst s26  }
0x1f: {  	s18 =	sor.u32 $0x28, s8;
	s19 =	sadd.s32 $0x2000, s6;
	[dreg:$0x19] =	wrdreg s11  }
0x20: {  	s20 =	sadd.s32 s18, s4;
	[dreg:$0x1c] =	wrdreg s19  }
0x21: {  	s8 =	sor.u32 $0x30, s8;
	s21 =	sadd.s32 s18, s1;
	[dreg:$0xd] =	wrdreg s20  }
0x22: {  	s4 =	sadd.s32 s8, s4;
	[dreg:$0xe] =	wrdreg s21  }
0x23: {  	s24 =	sadd.s32 $0x5000, s6;
	[dreg:$0xf] =	wrdreg s4  }
0x24: {  	s28 =	simm.s32 $0x3;
	s1 =	sadd.s32 s8, s1;
	[dreg:$0x1f] =	wrdreg s24  }
0x25: {  	s29 =	simm.s32 $0x6;
	s25 =	simm.s32 $0x16380;
	[dreg:$0x10] =	wrdreg s1  }
0x26: {  	s30 =	simm.s32 $0x4;
	s8 =	simm.s32 $0x1C400;
	[dreg:$0x11] =	wrdreg s25  }
0x27: {  	s31 =	simm.s32 $0x7;
	s16 =	sadd.s32 $0x9000, s6;
	[dreg:$0x12] =	wrdreg s8  }
0x28: {  	s12 =	sshll.u32 s15, $0xD;
	s17 =	sadd.s32 $0xA000, s6;
	[smem:$0x7F3] =	sst s16  }
0x29: {  	s12 =	sadd.s32 s12, s3;
	s18 =	sadd.s32 $0xB000, s6;
	[smem:$0x7F4] =	sst s17  }
0x2a: {  	s9 =	sadd.s32 $0x600, s9;
	s23 =	sadd.s32 $0x10000, s6;
	[smem:$0x7F5] =	sst s18  }
0x2b: {  	s22 =	simm.s32 $0x16280;
	s26 =	sadd.s32 $0x13000, s6;
	[smem:$0x7FA] =	sst s23  }
0x2c: {  	s11 =	smul.u32 $0x2800, s15;
	s15 =	sadd.s32 $0x1000, s6;
	[smem:$0x7FD] =	sst s26  }
0x2d: {  	s19 =	sadd.s32 $0xC000, s6;
	s20 =	sadd.s32 $0xD000, s6;
	[dreg:$0x1b] =	wrdreg s15  }
0x2e: {  	s21 =	sadd.s32 $0xE000, s6;
	s24 =	sadd.s32 $0x11000, s6;
	[smem:$0x7F6] =	sst s19  }
0x2f: {  	s25 =	sadd.s32 $0x12000, s6;
	s16 =	simm.s32 $0x40;
	[smem:$0x7F7] =	sst s20  }
0x30: {  	s17 =	simm.s32 $0x16400;
	s23 =	simm.s32 $0x1A400;
	[smem:$0x7F8] =	sst s21  }
0x31: {  	s26 =	simm.s32 $0x5;
	s1 =	simm.s32 $0x8;
	[smem:$0x7FB] =	sst s24  }
0x32: {  	s15 =	sshrl.u32 s12, $0x3;
	[smem:$0x7FC] =	sst s25;
	s12 =	simm.s32 $0x1E400  }
0x33: {  	s19 =	simm.s32 $0x16180;
	s20 =	simm.s32 $0x18400;
	s24 =	simm.s32 $0x1  }
0x34: {  	s25 =	simm.s32 $0x2;
	s13 =	sadd.s32 s11, s9;
	[smem:$0x7F2] =	sst s15  }
0x35: {  	v0 =	vimm.f32 $0.0e+00;
	s15 =	simm.s32 $0x16080;
	[smem:$0x7F0] =	sst s13;
	s13 =	simm.s32 $0x9  }
.LBB2_1:
0x36: {  	s4 =	simm.s32 $0x0;
	s8 =	simm.s32 $0x200  }
.LBB2_2:
0x37: {  	p0 =	sne.s32 s8, $0x3E00;
	[tilespmem:s4+$0x1E470] =	vst v0  }
0x38: {  	[tilespmem:s4+$0x1E400] =	vst v0  }
0x39: {  	[tilespmem:s4+$0x1E410] =	vst v0  }
.Ltmp0:
0x3a: {  	[tilespmem:s4+$0x1E420] =	vst v0;
	(pc) =	sbr.rel @p0 .LBB2_2-.Ltmp0, $4  }
0x3b: {  	[tilespmem:s4+$0x1E430] =	vst v0  }
0x3c: {  	[tilespmem:s4+$0x1E440] =	vst v0  }
0x3d: {  	[tilespmem:s4+$0x1E450] =	vst v0  }
0x3e: {  	[tilespmem:s4+$0x1E460] =	vst v0;
	s4 =	sshra.s32 s8, $0x2;
	s8 =	sadd.s32 $0x200, s8  }
0x3f: {  	[tilespmem:s4+$0x1E470] =	vst v0  }
0x40: {  	[tilespmem:s4+$0x1E400] =	vst v0  }
0x41: {  	[tilespmem:s4+$0x1E410] =	vst v0  }
0x42: {  	[tilespmem:s4+$0x1E420] =	vst v0  }
0x43: {  	[tilespmem:s4+$0x1E430] =	vst v0  }
0x44: {  	[tilespmem:s4+$0x1E440] =	vst v0  }
0x45: {  	[tilespmem:s4+$0x1E450] =	vst v0  }
0x46: {  	[tilespmem:s4+$0x1E460] =	vst v0  }
0x47: {  	[spmem:s6] =	stream.linear.scatter [tilespmem:s12], [sflag:$0x9], $0x1000, $0x38;
	[tilespmem:$0x1F400] =	vst v63  }
0x48: {  	_ =	swait.ge [sflag:s13], $0x1000  }
0x49: {  	[sflag:s13] =	ssyncset.done $0x0  }
0x4a: {  	s14 =	rddreg [dreg:$0x1b];
	[sflag:s13] =	ssyncadd.s32 $0xFFFFF000  }
0x4b: {  	[spmem:s14] =	stream.linear.scatter [tilespmem:s12], [sflag:$0x9], $0x1000, $0x38;
	[tilespmem:$0x1F400] =	vst v63  }
0x4c: {  	_ =	swait.ge [sflag:s13], $0x1000  }
0x4d: {  	[sflag:s13] =	ssyncset.done $0x0  }
0x4e: {  	s18 =	rddreg [dreg:$0x1c];
	[sflag:s13] =	ssyncadd.s32 $0xFFFFF000  }
0x4f: {  	[spmem:s18] =	stream.linear.scatter [tilespmem:s12], [sflag:$0x9], $0x1000, $0x38;
	[tilespmem:$0x1F400] =	vst v63  }
0x50: {  	_ =	swait.ge [sflag:s13], $0x1000  }
0x51: {  	[sflag:s13] =	ssyncset.done $0x0  }
0x52: {  	s21 =	rddreg [dreg:$0x1d];
	[sflag:s13] =	ssyncadd.s32 $0xFFFFF000  }
0x53: {  	[spmem:s21] =	stream.linear.scatter [tilespmem:s12], [sflag:$0x9], $0x1000, $0x38;
	[tilespmem:$0x1F400] =	vst v63  }
0x54: {  	_ =	swait.ge [sflag:s13], $0x1000  }
0x55: {  	[sflag:s13] =	ssyncset.done $0x0  }
0x56: {  	s8 =	rddreg [dreg:$0x1e];
	[sflag:s13] =	ssyncadd.s32 $0xFFFFF000  }
0x57: {  	[spmem:s8] =	stream.linear.scatter [tilespmem:s12], [sflag:$0x9], $0x1000, $0x38;
	[tilespmem:$0x1F400] =	vst v63  }
0x58: {  	_ =	swait.ge [sflag:s13], $0x1000  }
0x59: {  	[sflag:s13] =	ssyncset.done $0x0  }
0x5a: {  	s9 =	rddreg [dreg:$0x1f];
	[sflag:s13] =	ssyncadd.s32 $0xFFFFF000  }
0x5b: {  	[spmem:s9] =	stream.linear.scatter [tilespmem:s12], [sflag:$0x9], $0x1000, $0x38;
	[tilespmem:$0x1F400] =	vst v63  }
0x5c: {  	_ =	swait.ge [sflag:s13], $0x1000  }
0x5d: {  	s10 =	sld [smem:$0x7EE]  }
0x5e: {  	[sflag:s13] =	ssyncset.done $0x0  }
0x5f: {  	[sflag:s13] =	ssyncadd.s32 $0xFFFFF000  }
0x60: {  	[spmem:s10] =	stream.linear.scatter [tilespmem:s12], [sflag:$0x9], $0x1000, $0x38;
	[tilespmem:$0x1F400] =	vst v63  }
0x61: {  	_ =	swait.ge [sflag:s13], $0x1000  }
0x62: {  	s11 =	sld [smem:$0x7EF]  }
0x63: {  	[sflag:s13] =	ssyncset.done $0x0  }
0x64: {  	[sflag:s13] =	ssyncadd.s32 $0xFFFFF000  }
0x65: {  	[spmem:s11] =	stream.linear.scatter [tilespmem:s12], [sflag:$0x9], $0x1000, $0x38;
	[tilespmem:$0x1F400] =	vst v63  }
0x66: {  	_ =	swait.ge [sflag:s13], $0x1000  }
0x67: {  	s14 =	sld [smem:$0x7F1]  }
0x68: {  	[sflag:s13] =	ssyncset.done $0x0  }
0x69: {  	[sflag:s13] =	ssyncadd.s32 $0xFFFFF000  }
0x6a: {  	[spmem:s14] =	stream.linear.scatter [tilespmem:s12], [sflag:$0x9], $0x1000, $0x38;
	[tilespmem:$0x1F400] =	vst v63  }
0x6b: {  	_ =	swait.ge [sflag:s13], $0x1000  }
0x6c: {  	s18 =	sld [smem:$0x7F3]  }
0x6d: {  	[sflag:s13] =	ssyncset.done $0x0  }
0x6e: {  	[sflag:s13] =	ssyncadd.s32 $0xFFFFF000  }
0x6f: {  	[spmem:s18] =	stream.linear.scatter [tilespmem:s12], [sflag:$0x9], $0x1000, $0x38;
	[tilespmem:$0x1F400] =	vst v63  }
0x70: {  	_ =	swait.ge [sflag:s13], $0x1000  }
0x71: {  	s21 =	sld [smem:$0x7F4]  }
0x72: {  	[sflag:s13] =	ssyncset.done $0x0  }
0x73: {  	[sflag:s13] =	ssyncadd.s32 $0xFFFFF000  }
0x74: {  	[spmem:s21] =	stream.linear.scatter [tilespmem:s12], [sflag:$0x9], $0x1000, $0x38;
	[tilespmem:$0x1F400] =	vst v63  }
0x75: {  	_ =	swait.ge [sflag:s13], $0x1000  }
0x76: {  	s8 =	sld [smem:$0x7F5]  }
0x77: {  	[sflag:s13] =	ssyncset.done $0x0  }
0x78: {  	[sflag:s13] =	ssyncadd.s32 $0xFFFFF000  }
0x79: {  	[spmem:s8] =	stream.linear.scatter [tilespmem:s12], [sflag:$0x9], $0x1000, $0x38;
	[tilespmem:$0x1F400] =	vst v63  }
0x7a: {  	_ =	swait.ge [sflag:s13], $0x1000  }
0x7b: {  	s9 =	sld [smem:$0x7F6]  }
0x7c: {  	[sflag:s13] =	ssyncset.done $0x0  }
0x7d: {  	[sflag:s13] =	ssyncadd.s32 $0xFFFFF000  }
0x7e: {  	[spmem:s9] =	stream.linear.scatter [tilespmem:s12], [sflag:$0x9], $0x1000, $0x38;
	[tilespmem:$0x1F400] =	vst v63  }
0x7f: {  	_ =	swait.ge [sflag:s13], $0x1000  }
0x80: {  	s10 =	sld [smem:$0x7F7]  }
0x81: {  	[sflag:s13] =	ssyncset.done $0x0  }
0x82: {  	[sflag:s13] =	ssyncadd.s32 $0xFFFFF000  }
0x83: {  	[spmem:s10] =	stream.linear.scatter [tilespmem:s12], [sflag:$0x9], $0x1000, $0x38;
	[tilespmem:$0x1F400] =	vst v63  }
0x84: {  	_ =	swait.ge [sflag:s13], $0x1000  }
0x85: {  	s11 =	sld [smem:$0x7F8]  }
0x86: {  	[sflag:s13] =	ssyncset.done $0x0  }
0x87: {  	[sflag:s13] =	ssyncadd.s32 $0xFFFFF000  }
0x88: {  	[spmem:s11] =	stream.linear.scatter [tilespmem:s12], [sflag:$0x9], $0x1000, $0x38;
	[tilespmem:$0x1F400] =	vst v63  }
0x89: {  	_ =	swait.ge [sflag:s13], $0x1000  }
0x8a: {  	s14 =	sld [smem:$0x7F9]  }
0x8b: {  	[sflag:s13] =	ssyncset.done $0x0  }
0x8c: {  	[sflag:s13] =	ssyncadd.s32 $0xFFFFF000  }
0x8d: {  	[spmem:s14] =	stream.linear.scatter [tilespmem:s12], [sflag:$0x9], $0x1000, $0x38;
	[tilespmem:$0x1F400] =	vst v63  }
0x8e: {  	_ =	swait.ge [sflag:s13], $0x1000  }
0x8f: {  	s18 =	sld [smem:$0x7FA]  }
0x90: {  	[sflag:s13] =	ssyncset.done $0x0  }
0x91: {  	[sflag:s13] =	ssyncadd.s32 $0xFFFFF000  }
0x92: {  	[spmem:s18] =	stream.linear.scatter [tilespmem:s12], [sflag:$0x9], $0x1000, $0x38;
	[tilespmem:$0x1F400] =	vst v63  }
0x93: {  	_ =	swait.ge [sflag:s13], $0x1000  }
0x94: {  	s21 =	sld [smem:$0x7FB]  }
0x95: {  	[sflag:s13] =	ssyncset.done $0x0  }
0x96: {  	[sflag:s13] =	ssyncadd.s32 $0xFFFFF000  }
0x97: {  	[spmem:s21] =	stream.linear.scatter [tilespmem:s12], [sflag:$0x9], $0x1000, $0x38;
	[tilespmem:$0x1F400] =	vst v63  }
0x98: {  	_ =	swait.ge [sflag:s13], $0x1000  }
0x99: {  	s8 =	sld [smem:$0x7FC]  }
0x9a: {  	[sflag:s13] =	ssyncset.done $0x0  }
0x9b: {  	[sflag:s13] =	ssyncadd.s32 $0xFFFFF000  }
0x9c: {  	[spmem:s8] =	stream.linear.scatter [tilespmem:s12], [sflag:$0x9], $0x1000, $0x38;
	[tilespmem:$0x1F400] =	vst v63  }
0x9d: {  	_ =	swait.ge [sflag:s13], $0x1000  }
0x9e: {  	s9 =	sld [smem:$0x7FD]  }
0x9f: {  	[sflag:s13] =	ssyncset.done $0x0  }
0xa0: {  	[sflag:s13] =	ssyncadd.s32 $0xFFFFF000  }
0xa1: {  	[spmem:s9] =	stream.linear.scatter [tilespmem:s12], [sflag:$0x9], $0x1000, $0x38;
	[tilespmem:$0x1F400] =	vst v63  }
0xa2: {  	_ =	swait.ge [sflag:s13], $0x1000  }
0xa3: {  	s10 =	stileid.u32;
	s9 =	sld [smem:$0x7F2]  }
0xa4: {  	s4 =	sshll.u32 s10, $0x6;
	[sflag:s13] =	ssyncset.done $0x0  }
0xa5: {  	s4 =	sor.u32 $0x1C09, s4;
	s8 =	rddreg [dreg:$0x13];
	[sflag:s13] =	ssyncadd.s32 $0xFFFFF000  }
0xa6: {  	[spmem:s9], [sflag:s4] =	dma.local [hbm:s8], $0x400  }
0xa7: {  	_ =	swait.ge [sflag:s13], $0x400  }
0xa8: {  	[sflag:s13] =	ssyncset.done $0x0  }
0xa9: {  	[sflag:s13] =	ssyncadd.s32 $0xFFFFFC00  }
0xaa: {  	[bflag:$0x0] =	sbarrier.arrive $0xFFFF  }
0xab: {  	s10 =	simm.s32 $0x16000;
	s8 =	simm.s32 $0x0;
	s11 =	rddreg [dreg:$0x14]  }
0xac: {  	[tilespmem:s10], [sflag:$0x9] =	stream.linear.gather [hbm4b:s11+s8], $0x40, $0x38;
	[tilespmem:$0x1F400] =	vst v63  }
0xad: {  	_ =	swait.ge [sflag:s13], $0x40  }
0xae: {  	[sflag:s13] =	ssyncset.done $0x0  }
0xaf: {  	s14 =	rddreg [dreg:$0x15];
	[sflag:s13] =	ssyncadd.s32 $0xFFFFFFC0  }
0xb0: {  	[tilespmem:s15], [sflag:$0x9] =	stream.linear.gather [hbm4b:s14+s8], $0x40, $0x38;
	[tilespmem:$0x1F400] =	vst v63  }
0xb1: {  	_ =	swait.ge [sflag:s13], $0x40  }
0xb2: {  	[sflag:s13] =	ssyncset.done $0x0  }
0xb3: {  	[sflag:s13] =	ssyncadd.s32 $0xFFFFFFC0  }
0xb4: {  	[tilespmem:s17], [sflag:$0x1] =	stream.indirect.gather [hbm4b:s0+s16], $0x80, s10, s16, $0xb8;
	[tilespmem:$0x1F400] =	vst v63  }
0xb5: {  	s21 =	simm.s32 $0x16100;
	s18 =	rddreg [dreg:$0x16]  }
0xb6: {  	[tilespmem:s21], [sflag:$0x9] =	stream.linear.gather [hbm4b:s18+s8], $0x40, $0x38;
	[tilespmem:$0x1F400] =	vst v63  }
0xb7: {  	_ =	swait.ge [sflag:s13], $0x40  }
0xb8: {  	[sflag:s13] =	ssyncset.done $0x0  }
0xb9: {  	s11 =	rddreg [dreg:$0x17];
	[sflag:s13] =	ssyncadd.s32 $0xFFFFFFC0  }
0xba: {  	[tilespmem:s19], [sflag:$0x9] =	stream.linear.gather [hbm4b:s11+s8], $0x40, $0x38;
	[tilespmem:$0x1F400] =	vst v63  }
0xbb: {  	_ =	swait.ge [sflag:s13], $0x40  }
0xbc: {  	[sflag:s13] =	ssyncset.done $0x0  }
0xbd: {  	[sflag:s13] =	ssyncadd.s32 $0xFFFFFFC0  }
0xbe: {  	[tilespmem:s20], [sflag:$0x2] =	stream.indirect.gather [spmem:s3], $0x80, s21, s16, $0xb8;
	[tilespmem:$0x1F400] =	vst v63  }
0xbf: {  	s18 =	simm.s32 $0x16200;
	s14 =	rddreg [dreg:$0x18]  }
0xc0: {  	[tilespmem:s18], [sflag:$0x9] =	stream.linear.gather [hbm4b:s14+s8], $0x40, $0x38;
	[tilespmem:$0x1F400] =	vst v63  }
0xc1: {  	_ =	swait.ge [sflag:s13], $0x40  }
0xc2: {  	[sflag:s13] =	ssyncset.done $0x0  }
0xc3: {  	s21 =	rddreg [dreg:$0x19];
	[sflag:s13] =	ssyncadd.s32 $0xFFFFFFC0  }
0xc4: {  	[tilespmem:s22], [sflag:$0x9] =	stream.linear.gather [hbm4b:s21+s8], $0x40, $0x38;
	[tilespmem:$0x1F400] =	vst v63  }
0xc5: {  	_ =	swait.ge [sflag:s13], $0x40  }
0xc6: {  	[sflag:s13] =	ssyncset.done $0x0  }
0xc7: {  	s14 =	simm.s32 $0x3;
	[sflag:s13] =	ssyncadd.s32 $0xFFFFFFC0  }
0xc8: {  	[tilespmem:s23], [sflag:$0x3] =	stream.indirect.gather [hbm4b:s0+s16], $0x80, s18, s16, $0xb8;
	[tilespmem:$0x1F400] =	vst v63  }
.LBB2_4:
0xc9: {  	_ =	swait.ge [sflag:s24], $0x2000  }
0xca: {  	p0 =	seq.s32 s8, $0x0;
	[sflag:s24] =	ssyncset.done $0x0  }
0xcb: {  	s9 =	simm.s32 @!p0 $0x8;
	[sflag:s24] =	ssyncadd.s32 $0xFFFFE000  }
0xcc: {  	[spmem:s2] =	stream.indirect.scatter.add.f32 [tilespmem:s17], [sflag:$0x5], $0x80, s15, s16, $0xb8;
	[tilespmem:$0x1F400] =	vst v63  }
0xcd: {  	_ =	swait.ge @!p0 [sflag:s9], $0x2000  }
0xce: {  	[sflag:s9] =	ssyncset.done @!p0 $0x0  }
0xcf: {  	s10 =	rddreg [dreg:$0xa];
	[sflag:s9] =	ssyncadd.s32 @!p0 $0xFFFFE000;
	p0 =	sge.u32 s14, s7  }
0xd0: {  	s9 =	sadd.s32 @!p0 s8, s10;
	s10 =	simm.s32 @!p0 $0x0;
	s11 =	simm.s32 @!p0 $0x16300  }
0xd1: {  	[tilespmem:s11], [sflag:$0x9] =	stream.linear.gather @!p0 [hbm4b:s9+s10], $0x40, $0x38;
	[tilespmem:$0x1F400] =	vst v63  }
0xd2: {  	s9 =	simm.s32 @!p0 $0x9  }
0xd3: {  	_ =	swait.ge @!p0 [sflag:s9], $0x40  }
0xd4: {  	s18 =	rddreg [dreg:$0x9];
	[sflag:s9] =	ssyncset.done @!p0 $0x0  }
0xd5: {  	s21 =	simm.s32 @!p0 $0x16380;
	[sflag:s9] =	ssyncadd.s32 @!p0 $0xFFFFFFC0;
	s18 =	sadd.s32 @!p0 s8, s18  }
0xd6: {  	[tilespmem:s21], [sflag:$0x9] =	stream.linear.gather @!p0 [hbm4b:s18+s10], $0x40, $0x38;
	[tilespmem:$0x1F400] =	vst v63  }
0xd7: {  	_ =	swait.ge @!p0 [sflag:s9], $0x40  }
0xd8: {  	[sflag:s9] =	ssyncset.done @!p0 $0x0  }
0xd9: {  	s10 =	simm.s32 @!p0 $0x1C400;
	[sflag:s9] =	ssyncadd.s32 @!p0 $0xFFFFFFC0;
	s9 =	simm.s32 @!p0 $0x40  }
0xda: {  	[tilespmem:s10], [sflag:$0x4] =	stream.indirect.gather @!p0 [spmem:s3], $0x80, s11, s9, $0xb8;
	[tilespmem:$0x1F400] =	vst v63  }
0xdb: {  	_ =	swait.ge [sflag:s25], $0x2000  }
0xdc: {  	[sflag:s25] =	ssyncset.done $0x0  }
0xdd: {  	s18 =	sadd.s32 $0x1, s14;
	[sflag:s25] =	ssyncadd.s32 $0xFFFFE000  }
0xde: {  	[spmem:s2] =	stream.indirect.scatter.add.f32 [tilespmem:s20], [sflag:$0x6], $0x80, s19, s16, $0xb8;
	[tilespmem:$0x1F400] =	vst v63  }
0xdf: {  	p0 =	sge.u32 s18, s7;
	_ =	swait.ge [sflag:s26], $0x2000  }
0xe0: {  	s10 =	simm.s32 @!p0 $0x0;
	s9 =	rddreg [dreg:$0xc];
	[sflag:s26] =	ssyncset.done $0x0  }
0xe1: {  	s11 =	simm.s32 @!p0 $0x16000;
	[sflag:s26] =	ssyncadd.s32 $0xFFFFE000;
	s9 =	sadd.s32 @!p0 s8, s9  }
0xe2: {  	[tilespmem:s11], [sflag:$0x9] =	stream.linear.gather @!p0 [hbm4b:s9+s10], $0x40, $0x38;
	[tilespmem:$0x1F400] =	vst v63  }
0xe3: {  	s9 =	simm.s32 @!p0 $0x9  }
0xe4: {  	_ =	swait.ge @!p0 [sflag:s9], $0x40  }
0xe5: {  	s18 =	rddreg [dreg:$0xb];
	[sflag:s9] =	ssyncset.done @!p0 $0x0  }
0xe6: {  	s21 =	simm.s32 @!p0 $0x16080;
	[sflag:s9] =	ssyncadd.s32 @!p0 $0xFFFFFFC0;
	s18 =	sadd.s32 @!p0 s8, s18  }
0xe7: {  	[tilespmem:s21], [sflag:$0x9] =	stream.linear.gather @!p0 [hbm4b:s18+s10], $0x40, $0x38;
	[tilespmem:$0x1F400] =	vst v63  }
0xe8: {  	_ =	swait.ge @!p0 [sflag:s9], $0x40  }
0xe9: {  	[sflag:s9] =	ssyncset.done @!p0 $0x0  }
0xea: {  	s10 =	simm.s32 @!p0 $0x16400;
	[sflag:s9] =	ssyncadd.s32 @!p0 $0xFFFFFFC0;
	s9 =	simm.s32 @!p0 $0x40  }
0xeb: {  	[tilespmem:s10], [sflag:$0x1] =	stream.indirect.gather @!p0 [hbm4b:s0+s9], $0x80, s11, s9, $0xb8;
	[tilespmem:$0x1F400] =	vst v63  }
0xec: {  	_ =	swait.ge [sflag:s28], $0x2000  }
0xed: {  	[sflag:s28] =	ssyncset.done $0x0  }
0xee: {  	s21 =	sadd.s32 $0x2, s14;
	[sflag:s28] =	ssyncadd.s32 $0xFFFFE000  }
0xef: {  	[spmem:s2] =	stream.indirect.scatter.add.f32 [tilespmem:s23], [sflag:$0x7], $0x80, s22, s16, $0xb8;
	[tilespmem:$0x1F400] =	vst v63  }
0xf0: {  	p0 =	sge.u32 s21, s7;
	_ =	swait.ge [sflag:s29], $0x2000  }
0xf1: {  	s10 =	simm.s32 @!p0 $0x0;
	s9 =	rddreg [dreg:$0xe];
	[sflag:s29] =	ssyncset.done $0x0  }
0xf2: {  	s11 =	simm.s32 @!p0 $0x16100;
	[sflag:s29] =	ssyncadd.s32 $0xFFFFE000;
	s9 =	sadd.s32 @!p0 s8, s9  }
0xf3: {  	[tilespmem:s11], [sflag:$0x9] =	stream.linear.gather @!p0 [hbm4b:s9+s10], $0x40, $0x38;
	[tilespmem:$0x1F400] =	vst v63  }
0xf4: {  	s9 =	simm.s32 @!p0 $0x9  }
0xf5: {  	_ =	swait.ge @!p0 [sflag:s9], $0x40  }
0xf6: {  	s18 =	rddreg [dreg:$0xd];
	[sflag:s9] =	ssyncset.done @!p0 $0x0  }
0xf7: {  	s21 =	simm.s32 @!p0 $0x16180;
	[sflag:s9] =	ssyncadd.s32 @!p0 $0xFFFFFFC0;
	s18 =	sadd.s32 @!p0 s8, s18  }
0xf8: {  	[tilespmem:s21], [sflag:$0x9] =	stream.linear.gather @!p0 [hbm4b:s18+s10], $0x40, $0x38;
	[tilespmem:$0x1F400] =	vst v63  }
0xf9: {  	_ =	swait.ge @!p0 [sflag:s9], $0x40  }
0xfa: {  	[sflag:s9] =	ssyncset.done @!p0 $0x0  }
0xfb: {  	s10 =	simm.s32 @!p0 $0x18400;
	[sflag:s9] =	ssyncadd.s32 @!p0 $0xFFFFFFC0;
	s9 =	simm.s32 @!p0 $0x40  }
0xfc: {  	[tilespmem:s10], [sflag:$0x2] =	stream.indirect.gather @!p0 [spmem:s3], $0x80, s11, s9, $0xb8;
	[tilespmem:$0x1F400] =	vst v63  }
0xfd: {  	_ =	swait.ge [sflag:s30], $0x2000  }
0xfe: {  	s10 =	rddreg [dreg:$0x11];
	[sflag:s30] =	ssyncset.done $0x0  }
0xff: {  	s18 =	sadd.s32 $0x3, s14;
	s11 =	rddreg [dreg:$0x12];
	[sflag:s30] =	ssyncadd.s32 $0xFFFFE000  }
0x100: {  	[spmem:s2] =	stream.indirect.scatter.add.f32 [tilespmem:s11], [sflag:$0x8], $0x80, s10, s16, $0xb8;
	[tilespmem:$0x1F400] =	vst v63  }
0x101: {  	p0 =	sge.u32 s18, s7;
	_ =	swait.ge [sflag:s31], $0x2000  }
0x102: {  	s10 =	simm.s32 @!p0 $0x0;
	s9 =	rddreg [dreg:$0x10];
	[sflag:s31] =	ssyncset.done $0x0  }
0x103: {  	s11 =	simm.s32 @!p0 $0x16200;
	[sflag:s31] =	ssyncadd.s32 $0xFFFFE000;
	s9 =	sadd.s32 @!p0 s8, s9  }
0x104: {  	[tilespmem:s11], [sflag:$0x9] =	stream.linear.gather @!p0 [hbm4b:s9+s10], $0x40, $0x38;
	[tilespmem:$0x1F400] =	vst v63  }
0x105: {  	s9 =	simm.s32 @!p0 $0x9  }
0x106: {  	_ =	swait.ge @!p0 [sflag:s9], $0x40  }
0x107: {  	s18 =	rddreg [dreg:$0xf];
	[sflag:s9] =	ssyncset.done @!p0 $0x0  }
0x108: {  	s21 =	simm.s32 @!p0 $0x16280;
	[sflag:s9] =	ssyncadd.s32 @!p0 $0xFFFFFFC0;
	s18 =	sadd.s32 @!p0 s8, s18  }
0x109: {  	[tilespmem:s21], [sflag:$0x9] =	stream.linear.gather @!p0 [hbm4b:s18+s10], $0x40, $0x38;
	[tilespmem:$0x1F400] =	vst v63  }
0x10a: {  	_ =	swait.ge @!p0 [sflag:s9], $0x40  }
0x10b: {  	s8 =	sadd.s32 $0x20, s8;
	s10 =	simm.s32 @!p0 $0x1A400;
	[sflag:s9] =	ssyncset.done @!p0 $0x0  }
0x10c: {  	s21 =	rddreg [dreg:$0x8];
	[sflag:s9] =	ssyncadd.s32 @!p0 $0xFFFFFFC0;
	s9 =	simm.s32 @!p0 $0x40  }
0x10d: {  	[tilespmem:s10], [sflag:$0x3] =	stream.indirect.gather @!p0 [hbm4b:s0+s9], $0x80, s11, s9, $0xb8;
	[tilespmem:$0x1F400] =	vst v63  }
0x10e: {  	p0 =	sne.s32 s21, s8  }
.Ltmp1:
0x10f: {  	_ = 	snop;
	(pc) =	sbr.rel @p0 .LBB2_4-.Ltmp1, $2  }
0x110: {  	_ =	sdelay $0x2  }
0x111: {  	s14 =	sadd.s32 $0x4, s14  }
0x112: {  	_ =	swait.ge [sflag:s1], $0x2000  }
0x113: {  	[sflag:s1] =	ssyncset.done $0x0  }
0x114: {  	[sflag:s1] =	ssyncadd.s32 $0xFFFFE000  }
0x115: {  	[bflag:$0x0] =	sbarrier.arrive $0xFFFF  }
0x116: {  	s9 =	sld [smem:$0x7F0];
	_ =	sdelay $0x1  }
0x117: {  	s8 =	sshrl.u32 s6, $0x3  }
0x118: {  	[hbm:s9], [sflag:s4] =	dma.local [spmem:s8], $0x2800  }
0x119: {  	_ =	swait.ge [sflag:s13], $0x2800  }
0x11a: {  	s5 =	sadd.s32 $0x1, s5;
	s21 =	rddreg [dreg:$0x1a]  }
0x11b: {  	p0 =	sne.s32 s5, s21  }
.Ltmp2:
0x11c: {  	_ = 	snop;
	(pc) =	sbr.rel @p0 .LBB2_1-.Ltmp2, $3  }
0x11d: {  	_ =	sdelay $0x1  }
0x11e: {  	[sflag:s13] =	ssyncset.done $0x0  }
0x11f: {  	[sflag:s13] =	ssyncadd.s32 $0xFFFFD800  }
0x120: {  	_ =	sfence.sel $0x180000  }
0x121: {  	[bflag:$0x0] =	sbarrier.arrive $0xFFFF  }
0x122: {  	_ =	strace $0x90000047  }
0x123: {  	s0 =	stileid.u32;
	[bflag:$0x2] =	sbarrier.arrive $0xFFFF  }
0x124: {  	p0 =	sne.s32 s0, $0x0;
	s0 =	rddreg [dreg:$0x7]  }
0x125: {  	s0 =	sadd.s32 @!p0 $0x100000, s0  }
0x126: {  	[sflag:s0] =	ssyncadd.tile.s32 @!p0 $0x1;
	_ =	shalt  }
.Lfunc_end2:
_tile_overlayer_lowered:
.L_overlay_start_2:
0x127: {  	(tag) =	ssettag $0x2  }
0x128: {  	s0 =	rddreg [dreg:$0x0];
	s2 =	stileid.u32  }
0x129: {  	s1 =	rddreg [dreg:$0x1];
	p0 =	sne.s32 s2, $0x0  }
0x12a: {  	s3 =	rddreg [dreg:$0x2];
	[bflag:$0x3] =	sbarrier.arrive $0xFFFF;
	s2 =	simm.s32 @!p0 $0x1C09  }
0x12b: {  	[timem:s3], [sflag:s2] =	dma.local @!p0 [hbm:s0], s1  }
0x12c: {  	s0 =	simm.s32 @!p0 $0x9  }
0x12d: {  	_ =	swait.ge @!p0 [sflag:s0], s1  }
0x12e: {  	s1 =	ssub.s32 @!p0 $0x0, s1;
	[sflag:s0] =	ssyncset.done @!p0 $0x0  }
0x12f: {  	[sflag:s0] =	ssyncadd.s32 @!p0 s1  }
0x130: {  	[bflag:$0x3] =	sbarrier.arrive $0xFFFF  }
0x131: {  	_ =	shalt  }

</sc_bundles>
